<compile_context>
chip_gen: v7x
topology: tpu7x:2x2x1
jax: 0.10.2.dev20260603
libtpu: 0.0.44.dev20260713+nightly
codegen_flags: <defaults>
</compile_context>

<pallas_src>
import functools

import jax
import jax.numpy as jnp
from jax import lax
from jax.experimental import pallas as pl
from jax.experimental.pallas import tpu as pltpu
from jax.experimental.pallas import tpu_sc as plsc

B = 16384
NF = 26
EMD = 32
FEAT = NF * EMD
CONT = 13
WPACK = 848

NC = 2
NS = 16
NW = NC * NS
ROWS_W = B // NW
CHUNK = 32
NCHUNK = ROWS_W // CHUNK
IDX_PER_CHUNK = CHUNK * NF
GSIZE = 64
NSTREAM = IDX_PER_CHUNK // GSIZE
TROW = 128
TBL_ROWS = 1000000 * EMD // TROW


def _fold_body(w0, w1, w2, w3, w4, b0, b1, b2, b3, b4, out_ref):
    hp = jax.lax.Precision.HIGHEST
    v4 = w4[...]
    v3 = jnp.dot(w3[...], v4, precision=hp)
    v2 = jnp.dot(w2[...], v3, precision=hp)
    v1 = jnp.dot(w1[...], v2, precision=hp)
    wv = jnp.dot(w0[...], v1, precision=hp)
    c = (jnp.dot(b0[...], v1, precision=hp)
         + jnp.dot(b1[...], v2, precision=hp)
         + jnp.dot(b2[...], v3, precision=hp)
         + jnp.dot(b3[...], v4, precision=hp)
         + b4[...])
    m = lax.broadcasted_iota(jnp.int32, (WPACK, 1), 0) == (FEAT + CONT)
    out_ref[...] = wv + jnp.where(m, c, jnp.zeros_like(c))


_fold = pl.pallas_call(
    _fold_body,
    out_shape=jax.ShapeDtypeStruct((WPACK, 1), jnp.float32),
)


def _sc_body(cat_hbm, cont_hbm, tab_hbm, w_hbm, out_hbm,
             idx_v, idxc_v, buf_v, cont_v, w_v, out_v, sem):
    wid = lax.axis_index("s") * NC + lax.axis_index("c")
    pltpu.sync_copy(w_hbm, w_v)
    lanes = lax.iota(jnp.int32, 16)

    def chunk_body(t, carry):
        pltpu.sync_copy(cat_hbm.at[wid, t], idx_v)
        for q in range(NSTREAM):
            for kk in range(GSIZE // 16):
                v = idx_v[q, pl.ds(kk * 16, 16)]
                idxc_v[q, pl.ds(kk * 16, 16)] = v >> 2
        cps = [pltpu.async_copy(tab_hbm.at[idxc_v.at[q]],
                                buf_v.at[pl.ds(q * GSIZE, GSIZE)], sem)
               for q in range(NSTREAM)]
        pltpu.sync_copy(cont_hbm.at[wid, t], cont_v)
        for c in cps:
            c.wait()
        wtail = w_v[pl.ds(FEAT, 16)]

        def group_body(g, carry2):
            i0 = g * 16
            p0 = (i0 + lanes) * NF
            acc0 = jnp.full((16,), wtail[CONT], jnp.float32)

            def f_body(f, acc):
                p = p0 + f
                raw = plsc.load_gather(idx_v, [p >> 6, p & (GSIZE - 1)])
                off = (raw & 3) * EMD
                wlo = w_v[pl.ds(f * EMD, 16)]
                whi = w_v[pl.ds(f * EMD + 16, 16)]
                for j in range(16):
                    vals = plsc.load_gather(buf_v, [p, off + j])
                    acc = acc + vals * wlo[j]
                for j in range(16):
                    vals = plsc.load_gather(buf_v, [p, off + 16 + j])
                    acc = acc + vals * whi[j]
                return acc

            acc = lax.fori_loop(0, NF, f_body, acc0)
            cb = (i0 + lanes) * CONT
            for j in range(CONT):
                cv = plsc.load_gather(cont_v, [cb + j])
                acc = acc + cv * wtail[j]
            y = 1.0 / (1.0 + jnp.exp(-acc))
            out_v[pl.ds(t * CHUNK + i0, 16)] = y
            return carry2

        lax.fori_loop(0, CHUNK // 16, group_body, 0)
        return carry

    lax.fori_loop(0, NCHUNK, chunk_body, 0)
    pltpu.sync_copy(out_v, out_hbm.at[pl.ds(wid * ROWS_W, ROWS_W)])


_sc_classify = functools.partial(
    pl.kernel,
    mesh=plsc.VectorSubcoreMesh(core_axis_name="c", subcore_axis_name="s"),
    compiler_params=pltpu.CompilerParams(needs_layout_passes=False),
    out_type=jax.ShapeDtypeStruct((B,), jnp.float32),
    scratch_types=[
        pltpu.VMEM((NSTREAM, GSIZE), jnp.int32),
        pltpu.VMEM((NSTREAM, GSIZE), jnp.int32),
        pltpu.VMEM((IDX_PER_CHUNK, TROW), jnp.float32),
        pltpu.VMEM((CHUNK * CONT,), jnp.float32),
        pltpu.VMEM((WPACK,), jnp.float32),
        pltpu.VMEM((ROWS_W,), jnp.float32),
        pltpu.SemaphoreType.DMA,
    ],
)(_sc_body)


def kernel(categorical_features, continous_features, emb_table,
           W0, b0, W1, b1, W2, b2, W3, b3, W4, b4):
    cat32 = categorical_features.astype(jnp.int32).reshape(
        NW, NCHUNK, NSTREAM, GSIZE)
    cont_r = continous_features.reshape(NW, NCHUNK, CHUNK * CONT)
    tab = emb_table.reshape(TBL_ROWS, TROW)
    w0p = jnp.pad(W0, ((0, WPACK - W0.shape[0]), (0, 0)))
    wpack = _fold(w0p, W1, W2, W3, W4,
                  b0.reshape(1, -1), b1.reshape(1, -1), b2.reshape(1, -1),
                  b3.reshape(1, -1), b4.reshape(1, -1))
    out = _sc_classify(cat32, cont_r, tab, wpack.reshape(WPACK))
    return out.reshape(B, 1)

# --- scband reference (transcript-rebuilt; emitter-appended) ---
"""Pipeline reference for scband-simple-classify-14551349198905 (READ-ONLY COPY).

The authoritative reference and input builder live on the scoring server;
editing this copy changes nothing except your own understanding.
"""

import jax, jax.numpy as jnp
import numpy as np

B = 16384
CAT_NBR = 26
CONT_NBR = 13
EMD = 32
VOCAB = 1000000
# hidden_list per torch code: hidden_size=16 -> 2**arange(ceil(log2(16))+1)[::-1] = [16,8,4,2,1]
DIMS = [CONT_NBR + CAT_NBR * EMD, 16, 8, 4, 2, 1]


def setup_inputs(seed: int = 0) -> dict:
    key = jax.random.key(seed)
    ks = jax.random.split(key, 3 + 2 * 5)
    cat = jax.random.randint(ks[0], (B, CAT_NBR), 0, VOCAB, dtype=jnp.int32).astype(jnp.int64)
    cont = jax.random.normal(ks[1], (B, CONT_NBR), dtype=jnp.float32)
    emb_table = jax.random.normal(ks[2], (VOCAB, EMD), dtype=jnp.float32) * 0.05
    inp = {"categorical_features": cat, "continous_features": cont, "emb_table": emb_table}
    for i in range(5):
        fan_in = DIMS[i]
        inp[f"W{i}"] = jax.random.normal(ks[3 + 2 * i], (DIMS[i], DIMS[i + 1]), dtype=jnp.float32) * (1.0 / np.sqrt(fan_in))
        inp[f"b{i}"] = jax.random.uniform(ks[4 + 2 * i], (DIMS[i + 1],), dtype=jnp.float32, minval=-1.0 / np.sqrt(fan_in), maxval=1.0 / np.sqrt(fan_in))
    return inp


def reference(categorical_features, continous_features, emb_table, W0, b0, W1, b1, W2, b2, W3, b3, W4, b4):
    # per-field embedding lookup then concat along last dim (equivalent to the torch loop)
    bsz = categorical_features.shape[0]
    cat_vec = jnp.take(emb_table, categorical_features, axis=0).reshape(bsz, CAT_NBR * EMD)
    h = jnp.concatenate([cat_vec, continous_features], axis=-1)
    # Sequential: Linear -> (Dropout=identity in eval) -> Linear x4 -> Sigmoid
    for (W, b) in [(W0, b0), (W1, b1), (W2, b2), (W3, b3), (W4, b4)]:
        h = h @ W + b
    return jax.nn.sigmoid(h)

if __name__ == "__main__":
    import jax
    _d = setup_inputs()
    print(jax.jit(kernel)(*tuple(_d.values())))

</pallas_src>

<mosaic_0001>
#map = affine_map<(d0, d1) -> (0, 0, 0, 0)>
#map1 = affine_map<(d0, d1) -> (0, 0, 0)>
#map2 = affine_map<(d0, d1) -> (0, 0)>
#map3 = affine_map<(d0, d1) -> (0)>
module attributes {stable_mosaic.version = 14 : i64} {
  func.func @_sc_body(%arg0: i32, %arg1: i32, %arg2: memref<32x16x13x64xi32, #tpu.memory_space<hbm>>, %arg3: memref<32x16x416xf32, #tpu.memory_space<hbm>>, %arg4: memref<250000x128xf32, #tpu.memory_space<hbm>>, %arg5: memref<848xf32, #tpu.memory_space<hbm>>, %arg6: memref<16384xf32, #tpu.memory_space<hbm>>, %arg7: memref<13x64xi32, #tpu.memory_space<vmem>>, %arg8: memref<13x64xi32, #tpu.memory_space<vmem>>, %arg9: memref<832x128xf32, #tpu.memory_space<vmem>>, %arg10: memref<416xf32, #tpu.memory_space<vmem>>, %arg11: memref<848xf32, #tpu.memory_space<vmem>>, %arg12: memref<512xf32, #tpu.memory_space<vmem>>, %arg13: memref<!tpu.dma_semaphore, #tpu.memory_space<semaphore_mem>>) attributes {dimension_semantics = [#tpu.dimension_semantics<core_parallel>, #tpu.dimension_semantics<subcore_parallel>], iteration_bounds = array<i64: 2, 16>, scalar_prefetch = 0 : i64, scratch_operands = 7 : i64, tpu.core_type = #tpu.core_type<sc_vector_subcore>, window_params = [{transform_indices = #map}, {transform_indices = #map1}, {transform_indices = #map2}, {transform_indices = #map3}, {transform_indices = #map3}]} {
    %mul3A = arith.constant 2 : i32
    %mul3A_0 = arith.muli %arg1, %mul3A : i32
    %add3A = arith.addi %mul3A_0, %arg0 : i32
    "tpu.region"() ({
      %run_scoped3A = tpu.sem_alloc : memref<!tpu.dma_semaphore, #tpu.memory_space<semaphore_mem>>
      tpu.enqueue_dma source(%arg5 : memref<848xf32, #tpu.memory_space<hbm>>) target(%arg11 : memref<848xf32, #tpu.memory_space<vmem>>) target_semaphore(%run_scoped3A : memref<!tpu.dma_semaphore, #tpu.memory_space<semaphore_mem>>)
      tpu.wait_dma2 semaphore(%run_scoped3A : memref<!tpu.dma_semaphore, #tpu.memory_space<semaphore_mem>>) src(%arg5 : memref<848xf32, #tpu.memory_space<hbm>>) dst(%arg11 : memref<848xf32, #tpu.memory_space<vmem>>)
      tpu.yield
    }) : () -> ()
    %iota3A = tpu.iota {dimensions = array<i32: 0>} : vector<16xi32>
    %scan3A = arith.constant 0 : i32
    %scan3A_1 = arith.constant 0 : i32
    %scan3A_2 = arith.constant 16 : i32
    %scan3A_3 = arith.addi %scan3A_1, %scan3A_2 : i32
    %scan3A_4 = arith.constant 1 : i32
    scf.for %scan3A_8 = %scan3A_1 to %scan3A_3 step %scan3A_4  : i32 {
      "tpu.region"() ({
        %run_scoped3A = tpu.sem_alloc : memref<!tpu.dma_semaphore, #tpu.memory_space<semaphore_mem>>
        %dma_start3A_844 = arith.constant 0 : i32
        %dma_start3A_845 = arith.constant 0 : i32
        %dma_start3A_846 = tpu.memref_slice %arg2[%add3A, %scan3A_8, %dma_start3A_844, %dma_start3A_845] : memref<32x16x13x64xi32, #tpu.memory_space<hbm>> -> memref<1x1x13x64xi32, #tpu.memory_space<hbm>>
        %dma_start3A_847 = tpu.memref_squeeze %dma_start3A_846 : memref<1x1x13x64xi32, #tpu.memory_space<hbm>> -> memref<13x64xi32, #tpu.memory_space<hbm>>
        %dma_start3A_848 = arith.constant 0 : i32
        %dma_start3A_849 = arith.constant 0 : i32
        %dma_start3A_850 = tpu.memref_slice %arg2[%add3A, %scan3A_8, %dma_start3A_848, %dma_start3A_849] : memref<32x16x13x64xi32, #tpu.memory_space<hbm>> -> memref<1x1x13x64xi32, #tpu.memory_space<hbm>>
        %dma_start3A_851 = tpu.memref_squeeze %dma_start3A_850 : memref<1x1x13x64xi32, #tpu.memory_space<hbm>> -> memref<13x64xi32, #tpu.memory_space<hbm>>
        tpu.enqueue_dma source(%dma_start3A_851 : memref<13x64xi32, #tpu.memory_space<hbm>>) target(%arg7 : memref<13x64xi32, #tpu.memory_space<vmem>>) target_semaphore(%run_scoped3A : memref<!tpu.dma_semaphore, #tpu.memory_space<semaphore_mem>>)
        %dma_wait3A_852 = arith.constant 0 : i32
        %dma_wait3A_853 = arith.constant 0 : i32
        %dma_wait3A_854 = tpu.memref_slice %arg2[%add3A, %scan3A_8, %dma_wait3A_852, %dma_wait3A_853] : memref<32x16x13x64xi32, #tpu.memory_space<hbm>> -> memref<1x1x13x64xi32, #tpu.memory_space<hbm>>
        %dma_wait3A_855 = tpu.memref_squeeze %dma_wait3A_854 : memref<1x1x13x64xi32, #tpu.memory_space<hbm>> -> memref<13x64xi32, #tpu.memory_space<hbm>>
        %dma_wait3A_856 = arith.constant 0 : i32
        %dma_wait3A_857 = arith.constant 0 : i32
        %dma_wait3A_858 = tpu.memref_slice %arg2[%add3A, %scan3A_8, %dma_wait3A_856, %dma_wait3A_857] : memref<32x16x13x64xi32, #tpu.memory_space<hbm>> -> memref<1x1x13x64xi32, #tpu.memory_space<hbm>>
        %dma_wait3A_859 = tpu.memref_squeeze %dma_wait3A_858 : memref<1x1x13x64xi32, #tpu.memory_space<hbm>> -> memref<13x64xi32, #tpu.memory_space<hbm>>
        tpu.wait_dma2 semaphore(%run_scoped3A : memref<!tpu.dma_semaphore, #tpu.memory_space<semaphore_mem>>) src(%dma_wait3A_859 : memref<13x64xi32, #tpu.memory_space<hbm>>) dst(%arg7 : memref<13x64xi32, #tpu.memory_space<vmem>>)
        tpu.yield
      }) : () -> ()
      %get3A = arith.constant 0 : i32
      %get3A_9 = arith.index_cast %get3A : i32 to index
      %get3A_10 = arith.constant 0 : index
      %get3A_11 = tpu.vector_load %arg7[%get3A_9, %get3A_10] {strides = array<i32>} : memref<13x64xi32, #tpu.memory_space<vmem>>, vector<16xi32>,
      %shift_right_arithmetic3A = arith.constant 2 : i32
      %shift_right_arithmetic3A_12 = vector.broadcast %shift_right_arithmetic3A : i32 to vector<16xi32>
      %shift_right_arithmetic3A_13 = arith.shrsi %get3A_11, %shift_right_arithmetic3A_12 : vector<16xi32>
      %swap3A = arith.constant 0 : i32
      %swap3A_14 = arith.index_cast %swap3A : i32 to index
      %swap3A_15 = arith.constant 0 : index
      %swap3A_16 = tpu.vector_load %arg8[%swap3A_14, %swap3A_15] {strides = array<i32>} : memref<13x64xi32, #tpu.memory_space<vmem>>, vector<16xi32>,
      tpu.vector_store %arg8[%swap3A_14, %swap3A_15], %shift_right_arithmetic3A_13 {strides = array<i32>} : memref<13x64xi32, #tpu.memory_space<vmem>>, vector<16xi32>,
      %get3A_17 = arith.constant 0 : i32
      %get3A_18 = arith.index_cast %get3A_17 : i32 to index
      %get3A_19 = arith.constant 16 : index
      %get3A_20 = tpu.vector_load %arg7[%get3A_18, %get3A_19] {strides = array<i32>} : memref<13x64xi32, #tpu.memory_space<vmem>>, vector<16xi32>,
      %shift_right_arithmetic3A_21 = arith.constant 2 : i32
      %shift_right_arithmetic3A_22 = vector.broadcast %shift_right_arithmetic3A_21 : i32 to vector<16xi32>
      %shift_right_arithmetic3A_23 = arith.shrsi %get3A_20, %shift_right_arithmetic3A_22 : vector<16xi32>
      %swap3A_24 = arith.constant 0 : i32
      %swap3A_25 = arith.index_cast %swap3A_24 : i32 to index
      %swap3A_26 = arith.constant 16 : index
      %swap3A_27 = tpu.vector_load %arg8[%swap3A_25, %swap3A_26] {strides = array<i32>} : memref<13x64xi32, #tpu.memory_space<vmem>>, vector<16xi32>,
      tpu.vector_store %arg8[%swap3A_25, %swap3A_26], %shift_right_arithmetic3A_23 {strides = array<i32>} : memref<13x64xi32, #tpu.memory_space<vmem>>, vector<16xi32>,
      %get3A_28 = arith.constant 0 : i32
      %get3A_29 = arith.index_cast %get3A_28 : i32 to index
      %get3A_30 = arith.constant 32 : index
      %get3A_31 = tpu.vector_load %arg7[%get3A_29, %get3A_30] {strides = array<i32>} : memref<13x64xi32, #tpu.memory_space<vmem>>, vector<16xi32>,
      %shift_right_arithmetic3A_32 = arith.constant 2 : i32
      %shift_right_arithmetic3A_33 = vector.broadcast %shift_right_arithmetic3A_32 : i32 to vector<16xi32>
      %shift_right_arithmetic3A_34 = arith.shrsi %get3A_31, %shift_right_arithmetic3A_33 : vector<16xi32>
      %swap3A_35 = arith.constant 0 : i32
      %swap3A_36 = arith.index_cast %swap3A_35 : i32 to index
      %swap3A_37 = arith.constant 32 : index
      %swap3A_38 = tpu.vector_load %arg8[%swap3A_36, %swap3A_37] {strides = array<i32>} : memref<13x64xi32, #tpu.memory_space<vmem>>, vector<16xi32>,
      tpu.vector_store %arg8[%swap3A_36, %swap3A_37], %shift_right_arithmetic3A_34 {strides = array<i32>} : memref<13x64xi32, #tpu.memory_space<vmem>>, vector<16xi32>,
      %get3A_39 = arith.constant 0 : i32
      %get3A_40 = arith.index_cast %get3A_39 : i32 to index
      %get3A_41 = arith.constant 48 : index
      %get3A_42 = tpu.vector_load %arg7[%get3A_40, %get3A_41] {strides = array<i32>} : memref<13x64xi32, #tpu.memory_space<vmem>>, vector<16xi32>,
      %shift_right_arithmetic3A_43 = arith.constant 2 : i32
      %shift_right_arithmetic3A_44 = vector.broadcast %shift_right_arithmetic3A_43 : i32 to vector<16xi32>
      %shift_right_arithmetic3A_45 = arith.shrsi %get3A_42, %shift_right_arithmetic3A_44 : vector<16xi32>
      %swap3A_46 = arith.constant 0 : i32
      %swap3A_47 = arith.index_cast %swap3A_46 : i32 to index
      %swap3A_48 = arith.constant 48 : index
      %swap3A_49 = tpu.vector_load %arg8[%swap3A_47, %swap3A_48] {strides = array<i32>} : memref<13x64xi32, #tpu.memory_space<vmem>>, vector<16xi32>,
      tpu.vector_store %arg8[%swap3A_47, %swap3A_48], %shift_right_arithmetic3A_45 {strides = array<i32>} : memref<13x64xi32, #tpu.memory_space<vmem>>, vector<16xi32>,
      %get3A_50 = arith.constant 1 : i32
      %get3A_51 = arith.index_cast %get3A_50 : i32 to index
      %get3A_52 = arith.constant 0 : index
      %get3A_53 = tpu.vector_load %arg7[%get3A_51, %get3A_52] {strides = array<i32>} : memref<13x64xi32, #tpu.memory_space<vmem>>, vector<16xi32>,
      %shift_right_arithmetic3A_54 = arith.constant 2 : i32
      %shift_right_arithmetic3A_55 = vector.broadcast %shift_right_arithmetic3A_54 : i32 to vector<16xi32>
      %shift_right_arithmetic3A_56 = arith.shrsi %get3A_53, %shift_right_arithmetic3A_55 : vector<16xi32>
      %swap3A_57 = arith.constant 1 : i32
      %swap3A_58 = arith.index_cast %swap3A_57 : i32 to index
      %swap3A_59 = arith.constant 0 : index
      %swap3A_60 = tpu.vector_load %arg8[%swap3A_58, %swap3A_59] {strides = array<i32>} : memref<13x64xi32, #tpu.memory_space<vmem>>, vector<16xi32>,
      tpu.vector_store %arg8[%swap3A_58, %swap3A_59], %shift_right_arithmetic3A_56 {strides = array<i32>} : memref<13x64xi32, #tpu.memory_space<vmem>>, vector<16xi32>,
      %get3A_61 = arith.constant 1 : i32
      %get3A_62 = arith.index_cast %get3A_61 : i32 to index
      %get3A_63 = arith.constant 16 : index
      %get3A_64 = tpu.vector_load %arg7[%get3A_62, %get3A_63] {strides = array<i32>} : memref<13x64xi32, #tpu.memory_space<vmem>>, vector<16xi32>,
      %shift_right_arithmetic3A_65 = arith.constant 2 : i32
      %shift_right_arithmetic3A_66 = vector.broadcast %shift_right_arithmetic3A_65 : i32 to vector<16xi32>
      %shift_right_arithmetic3A_67 = arith.shrsi %get3A_64, %shift_right_arithmetic3A_66 : vector<16xi32>
      %swap3A_68 = arith.constant 1 : i32
      %swap3A_69 = arith.index_cast %swap3A_68 : i32 to index
      %swap3A_70 = arith.constant 16 : index
      %swap3A_71 = tpu.vector_load %arg8[%swap3A_69, %swap3A_70] {strides = array<i32>} : memref<13x64xi32, #tpu.memory_space<vmem>>, vector<16xi32>,
      tpu.vector_store %arg8[%swap3A_69, %swap3A_70], %shift_right_arithmetic3A_67 {strides = array<i32>} : memref<13x64xi32, #tpu.memory_space<vmem>>, vector<16xi32>,
      %get3A_72 = arith.constant 1 : i32
      %get3A_73 = arith.index_cast %get3A_72 : i32 to index
      %get3A_74 = arith.constant 32 : index
      %get3A_75 = tpu.vector_load %arg7[%get3A_73, %get3A_74] {strides = array<i32>} : memref<13x64xi32, #tpu.memory_space<vmem>>, vector<16xi32>,
      %shift_right_arithmetic3A_76 = arith.constant 2 : i32
      %shift_right_arithmetic3A_77 = vector.broadcast %shift_right_arithmetic3A_76 : i32 to vector<16xi32>
      %shift_right_arithmetic3A_78 = arith.shrsi %get3A_75, %shift_right_arithmetic3A_77 : vector<16xi32>
      %swap3A_79 = arith.constant 1 : i32
      %swap3A_80 = arith.index_cast %swap3A_79 : i32 to index
      %swap3A_81 = arith.constant 32 : index
      %swap3A_82 = tpu.vector_load %arg8[%swap3A_80, %swap3A_81] {strides = array<i32>} : memref<13x64xi32, #tpu.memory_space<vmem>>, vector<16xi32>,
      tpu.vector_store %arg8[%swap3A_80, %swap3A_81], %shift_right_arithmetic3A_78 {strides = array<i32>} : memref<13x64xi32, #tpu.memory_space<vmem>>, vector<16xi32>,
      %get3A_83 = arith.constant 1 : i32
      %get3A_84 = arith.index_cast %get3A_83 : i32 to index
      %get3A_85 = arith.constant 48 : index
      %get3A_86 = tpu.vector_load %arg7[%get3A_84, %get3A_85] {strides = array<i32>} : memref<13x64xi32, #tpu.memory_space<vmem>>, vector<16xi32>,
      %shift_right_arithmetic3A_87 = arith.constant 2 : i32
      %shift_right_arithmetic3A_88 = vector.broadcast %shift_right_arithmetic3A_87 : i32 to vector<16xi32>
      %shift_right_arithmetic3A_89 = arith.shrsi %get3A_86, %shift_right_arithmetic3A_88 : vector<16xi32>
      %swap3A_90 = arith.constant 1 : i32
      %swap3A_91 = arith.index_cast %swap3A_90 : i32 to index
      %swap3A_92 = arith.constant 48 : index
      %swap3A_93 = tpu.vector_load %arg8[%swap3A_91, %swap3A_92] {strides = array<i32>} : memref<13x64xi32, #tpu.memory_space<vmem>>, vector<16xi32>,
      tpu.vector_store %arg8[%swap3A_91, %swap3A_92], %shift_right_arithmetic3A_89 {strides = array<i32>} : memref<13x64xi32, #tpu.memory_space<vmem>>, vector<16xi32>,
      %get3A_94 = arith.constant 2 : i32
      %get3A_95 = arith.index_cast %get3A_94 : i32 to index
      %get3A_96 = arith.constant 0 : index
      %get3A_97 = tpu.vector_load %arg7[%get3A_95, %get3A_96] {strides = array<i32>} : memref<13x64xi32, #tpu.memory_space<vmem>>, vector<16xi32>,
      %shift_right_arithmetic3A_98 = arith.constant 2 : i32
      %shift_right_arithmetic3A_99 = vector.broadcast %shift_right_arithmetic3A_98 : i32 to vector<16xi32>
      %shift_right_arithmetic3A_100 = arith.shrsi %get3A_97, %shift_right_arithmetic3A_99 : vector<16xi32>
      %swap3A_101 = arith.constant 2 : i32
      %swap3A_102 = arith.index_cast %swap3A_101 : i32 to index
      %swap3A_103 = arith.constant 0 : index
      %swap3A_104 = tpu.vector_load %arg8[%swap3A_102, %swap3A_103] {strides = array<i32>} : memref<13x64xi32, #tpu.memory_space<vmem>>, vector<16xi32>,
      tpu.vector_store %arg8[%swap3A_102, %swap3A_103], %shift_right_arithmetic3A_100 {strides = array<i32>} : memref<13x64xi32, #tpu.memory_space<vmem>>, vector<16xi32>,
      %get3A_105 = arith.constant 2 : i32
      %get3A_106 = arith.index_cast %get3A_105 : i32 to index
      %get3A_107 = arith.constant 16 : index
      %get3A_108 = tpu.vector_load %arg7[%get3A_106, %get3A_107] {strides = array<i32>} : memref<13x64xi32, #tpu.memory_space<vmem>>, vector<16xi32>,
      %shift_right_arithmetic3A_109 = arith.constant 2 : i32
      %shift_right_arithmetic3A_110 = vector.broadcast %shift_right_arithmetic3A_109 : i32 to vector<16xi32>
      %shift_right_arithmetic3A_111 = arith.shrsi %get3A_108, %shift_right_arithmetic3A_110 : vector<16xi32>
      %swap3A_112 = arith.constant 2 : i32
      %swap3A_113 = arith.index_cast %swap3A_112 : i32 to index
      %swap3A_114 = arith.constant 16 : index
      %swap3A_115 = tpu.vector_load %arg8[%swap3A_113, %swap3A_114] {strides = array<i32>} : memref<13x64xi32, #tpu.memory_space<vmem>>, vector<16xi32>,
      tpu.vector_store %arg8[%swap3A_113, %swap3A_114], %shift_right_arithmetic3A_111 {strides = array<i32>} : memref<13x64xi32, #tpu.memory_space<vmem>>, vector<16xi32>,
      %get3A_116 = arith.constant 2 : i32
      %get3A_117 = arith.index_cast %get3A_116 : i32 to index
      %get3A_118 = arith.constant 32 : index
      %get3A_119 = tpu.vector_load %arg7[%get3A_117, %get3A_118] {strides = array<i32>} : memref<13x64xi32, #tpu.memory_space<vmem>>, vector<16xi32>,
      %shift_right_arithmetic3A_120 = arith.constant 2 : i32
      %shift_right_arithmetic3A_121 = vector.broadcast %shift_right_arithmetic3A_120 : i32 to vector<16xi32>
      %shift_right_arithmetic3A_122 = arith.shrsi %get3A_119, %shift_right_arithmetic3A_121 : vector<16xi32>
      %swap3A_123 = arith.constant 2 : i32
      %swap3A_124 = arith.index_cast %swap3A_123 : i32 to index
      %swap3A_125 = arith.constant 32 : index
      %swap3A_126 = tpu.vector_load %arg8[%swap3A_124, %swap3A_125] {strides = array<i32>} : memref<13x64xi32, #tpu.memory_space<vmem>>, vector<16xi32>,
      tpu.vector_store %arg8[%swap3A_124, %swap3A_125], %shift_right_arithmetic3A_122 {strides = array<i32>} : memref<13x64xi32, #tpu.memory_space<vmem>>, vector<16xi32>,
      %get3A_127 = arith.constant 2 : i32
      %get3A_128 = arith.index_cast %get3A_127 : i32 to index
      %get3A_129 = arith.constant 48 : index
      %get3A_130 = tpu.vector_load %arg7[%get3A_128, %get3A_129] {strides = array<i32>} : memref<13x64xi32, #tpu.memory_space<vmem>>, vector<16xi32>,
      %shift_right_arithmetic3A_131 = arith.constant 2 : i32
      %shift_right_arithmetic3A_132 = vector.broadcast %shift_right_arithmetic3A_131 : i32 to vector<16xi32>
      %shift_right_arithmetic3A_133 = arith.shrsi %get3A_130, %shift_right_arithmetic3A_132 : vector<16xi32>
      %swap3A_134 = arith.constant 2 : i32
      %swap3A_135 = arith.index_cast %swap3A_134 : i32 to index
      %swap3A_136 = arith.constant 48 : index
      %swap3A_137 = tpu.vector_load %arg8[%swap3A_135, %swap3A_136] {strides = array<i32>} : memref<13x64xi32, #tpu.memory_space<vmem>>, vector<16xi32>,
      tpu.vector_store %arg8[%swap3A_135, %swap3A_136], %shift_right_arithmetic3A_133 {strides = array<i32>} : memref<13x64xi32, #tpu.memory_space<vmem>>, vector<16xi32>,
      %get3A_138 = arith.constant 3 : i32
      %get3A_139 = arith.index_cast %get3A_138 : i32 to index
      %get3A_140 = arith.constant 0 : index
      %get3A_141 = tpu.vector_load %arg7[%get3A_139, %get3A_140] {strides = array<i32>} : memref<13x64xi32, #tpu.memory_space<vmem>>, vector<16xi32>,
      %shift_right_arithmetic3A_142 = arith.constant 2 : i32
      %shift_right_arithmetic3A_143 = vector.broadcast %shift_right_arithmetic3A_142 : i32 to vector<16xi32>
      %shift_right_arithmetic3A_144 = arith.shrsi %get3A_141, %shift_right_arithmetic3A_143 : vector<16xi32>
      %swap3A_145 = arith.constant 3 : i32
      %swap3A_146 = arith.index_cast %swap3A_145 : i32 to index
      %swap3A_147 = arith.constant 0 : index
      %swap3A_148 = tpu.vector_load %arg8[%swap3A_146, %swap3A_147] {strides = array<i32>} : memref<13x64xi32, #tpu.memory_space<vmem>>, vector<16xi32>,
      tpu.vector_store %arg8[%swap3A_146, %swap3A_147], %shift_right_arithmetic3A_144 {strides = array<i32>} : memref<13x64xi32, #tpu.memory_space<vmem>>, vector<16xi32>,
      %get3A_149 = arith.constant 3 : i32
      %get3A_150 = arith.index_cast %get3A_149 : i32 to index
      %get3A_151 = arith.constant 16 : index
      %get3A_152 = tpu.vector_load %arg7[%get3A_150, %get3A_151] {strides = array<i32>} : memref<13x64xi32, #tpu.memory_space<vmem>>, vector<16xi32>,
      %shift_right_arithmetic3A_153 = arith.constant 2 : i32
      %shift_right_arithmetic3A_154 = vector.broadcast %shift_right_arithmetic3A_153 : i32 to vector<16xi32>
      %shift_right_arithmetic3A_155 = arith.shrsi %get3A_152, %shift_right_arithmetic3A_154 : vector<16xi32>
      %swap3A_156 = arith.constant 3 : i32
      %swap3A_157 = arith.index_cast %swap3A_156 : i32 to index
      %swap3A_158 = arith.constant 16 : index
      %swap3A_159 = tpu.vector_load %arg8[%swap3A_157, %swap3A_158] {strides = array<i32>} : memref<13x64xi32, #tpu.memory_space<vmem>>, vector<16xi32>,
      tpu.vector_store %arg8[%swap3A_157, %swap3A_158], %shift_right_arithmetic3A_155 {strides = array<i32>} : memref<13x64xi32, #tpu.memory_space<vmem>>, vector<16xi32>,
      %get3A_160 = arith.constant 3 : i32
      %get3A_161 = arith.index_cast %get3A_160 : i32 to index
      %get3A_162 = arith.constant 32 : index
      %get3A_163 = tpu.vector_load %arg7[%get3A_161, %get3A_162] {strides = array<i32>} : memref<13x64xi32, #tpu.memory_space<vmem>>, vector<16xi32>,
      %shift_right_arithmetic3A_164 = arith.constant 2 : i32
      %shift_right_arithmetic3A_165 = vector.broadcast %shift_right_arithmetic3A_164 : i32 to vector<16xi32>
      %shift_right_arithmetic3A_166 = arith.shrsi %get3A_163, %shift_right_arithmetic3A_165 : vector<16xi32>
      %swap3A_167 = arith.constant 3 : i32
      %swap3A_168 = arith.index_cast %swap3A_167 : i32 to index
      %swap3A_169 = arith.constant 32 : index
      %swap3A_170 = tpu.vector_load %arg8[%swap3A_168, %swap3A_169] {strides = array<i32>} : memref<13x64xi32, #tpu.memory_space<vmem>>, vector<16xi32>,
      tpu.vector_store %arg8[%swap3A_168, %swap3A_169], %shift_right_arithmetic3A_166 {strides = array<i32>} : memref<13x64xi32, #tpu.memory_space<vmem>>, vector<16xi32>,
      %get3A_171 = arith.constant 3 : i32
      %get3A_172 = arith.index_cast %get3A_171 : i32 to index
      %get3A_173 = arith.constant 48 : index
      %get3A_174 = tpu.vector_load %arg7[%get3A_172, %get3A_173] {strides = array<i32>} : memref<13x64xi32, #tpu.memory_space<vmem>>, vector<16xi32>,
      %shift_right_arithmetic3A_175 = arith.constant 2 : i32
      %shift_right_arithmetic3A_176 = vector.broadcast %shift_right_arithmetic3A_175 : i32 to vector<16xi32>
      %shift_right_arithmetic3A_177 = arith.shrsi %get3A_174, %shift_right_arithmetic3A_176 : vector<16xi32>
      %swap3A_178 = arith.constant 3 : i32
      %swap3A_179 = arith.index_cast %swap3A_178 : i32 to index
      %swap3A_180 = arith.constant 48 : index
      %swap3A_181 = tpu.vector_load %arg8[%swap3A_179, %swap3A_180] {strides = array<i32>} : memref<13x64xi32, #tpu.memory_space<vmem>>, vector<16xi32>,
      tpu.vector_store %arg8[%swap3A_179, %swap3A_180], %shift_right_arithmetic3A_177 {strides = array<i32>} : memref<13x64xi32, #tpu.memory_space<vmem>>, vector<16xi32>,
      %get3A_182 = arith.constant 4 : i32
      %get3A_183 = arith.index_cast %get3A_182 : i32 to index
      %get3A_184 = arith.constant 0 : index
      %get3A_185 = tpu.vector_load %arg7[%get3A_183, %get3A_184] {strides = array<i32>} : memref<13x64xi32, #tpu.memory_space<vmem>>, vector<16xi32>,
      %shift_right_arithmetic3A_186 = arith.constant 2 : i32
      %shift_right_arithmetic3A_187 = vector.broadcast %shift_right_arithmetic3A_186 : i32 to vector<16xi32>
      %shift_right_arithmetic3A_188 = arith.shrsi %get3A_185, %shift_right_arithmetic3A_187 : vector<16xi32>
      %swap3A_189 = arith.constant 4 : i32
      %swap3A_190 = arith.index_cast %swap3A_189 : i32 to index
      %swap3A_191 = arith.constant 0 : index
      %swap3A_192 = tpu.vector_load %arg8[%swap3A_190, %swap3A_191] {strides = array<i32>} : memref<13x64xi32, #tpu.memory_space<vmem>>, vector<16xi32>,
      tpu.vector_store %arg8[%swap3A_190, %swap3A_191], %shift_right_arithmetic3A_188 {strides = array<i32>} : memref<13x64xi32, #tpu.memory_space<vmem>>, vector<16xi32>,
      %get3A_193 = arith.constant 4 : i32
      %get3A_194 = arith.index_cast %get3A_193 : i32 to index
      %get3A_195 = arith.constant 16 : index
      %get3A_196 = tpu.vector_load %arg7[%get3A_194, %get3A_195] {strides = array<i32>} : memref<13x64xi32, #tpu.memory_space<vmem>>, vector<16xi32>,
      %shift_right_arithmetic3A_197 = arith.constant 2 : i32
      %shift_right_arithmetic3A_198 = vector.broadcast %shift_right_arithmetic3A_197 : i32 to vector<16xi32>
      %shift_right_arithmetic3A_199 = arith.shrsi %get3A_196, %shift_right_arithmetic3A_198 : vector<16xi32>
      %swap3A_200 = arith.constant 4 : i32
      %swap3A_201 = arith.index_cast %swap3A_200 : i32 to index
      %swap3A_202 = arith.constant 16 : index
      %swap3A_203 = tpu.vector_load %arg8[%swap3A_201, %swap3A_202] {strides = array<i32>} : memref<13x64xi32, #tpu.memory_space<vmem>>, vector<16xi32>,
      tpu.vector_store %arg8[%swap3A_201, %swap3A_202], %shift_right_arithmetic3A_199 {strides = array<i32>} : memref<13x64xi32, #tpu.memory_space<vmem>>, vector<16xi32>,
      %get3A_204 = arith.constant 4 : i32
      %get3A_205 = arith.index_cast %get3A_204 : i32 to index
      %get3A_206 = arith.constant 32 : index
      %get3A_207 = tpu.vector_load %arg7[%get3A_205, %get3A_206] {strides = array<i32>} : memref<13x64xi32, #tpu.memory_space<vmem>>, vector<16xi32>,
      %shift_right_arithmetic3A_208 = arith.constant 2 : i32
      %shift_right_arithmetic3A_209 = vector.broadcast %shift_right_arithmetic3A_208 : i32 to vector<16xi32>
      %shift_right_arithmetic3A_210 = arith.shrsi %get3A_207, %shift_right_arithmetic3A_209 : vector<16xi32>
      %swap3A_211 = arith.constant 4 : i32
      %swap3A_212 = arith.index_cast %swap3A_211 : i32 to index
      %swap3A_213 = arith.constant 32 : index
      %swap3A_214 = tpu.vector_load %arg8[%swap3A_212, %swap3A_213] {strides = array<i32>} : memref<13x64xi32, #tpu.memory_space<vmem>>, vector<16xi32>,
      tpu.vector_store %arg8[%swap3A_212, %swap3A_213], %shift_right_arithmetic3A_210 {strides = array<i32>} : memref<13x64xi32, #tpu.memory_space<vmem>>, vector<16xi32>,
      %get3A_215 = arith.constant 4 : i32
      %get3A_216 = arith.index_cast %get3A_215 : i32 to index
      %get3A_217 = arith.constant 48 : index
      %get3A_218 = tpu.vector_load %arg7[%get3A_216, %get3A_217] {strides = array<i32>} : memref<13x64xi32, #tpu.memory_space<vmem>>, vector<16xi32>,
      %shift_right_arithmetic3A_219 = arith.constant 2 : i32
      %shift_right_arithmetic3A_220 = vector.broadcast %shift_right_arithmetic3A_219 : i32 to vector<16xi32>
      %shift_right_arithmetic3A_221 = arith.shrsi %get3A_218, %shift_right_arithmetic3A_220 : vector<16xi32>
      %swap3A_222 = arith.constant 4 : i32
      %swap3A_223 = arith.index_cast %swap3A_222 : i32 to index
      %swap3A_224 = arith.constant 48 : index
      %swap3A_225 = tpu.vector_load %arg8[%swap3A_223, %swap3A_224] {strides = array<i32>} : memref<13x64xi32, #tpu.memory_space<vmem>>, vector<16xi32>,
      tpu.vector_store %arg8[%swap3A_223, %swap3A_224], %shift_right_arithmetic3A_221 {strides = array<i32>} : memref<13x64xi32, #tpu.memory_space<vmem>>, vector<16xi32>,
      %get3A_226 = arith.constant 5 : i32
      %get3A_227 = arith.index_cast %get3A_226 : i32 to index
      %get3A_228 = arith.constant 0 : index
      %get3A_229 = tpu.vector_load %arg7[%get3A_227, %get3A_228] {strides = array<i32>} : memref<13x64xi32, #tpu.memory_space<vmem>>, vector<16xi32>,
      %shift_right_arithmetic3A_230 = arith.constant 2 : i32
      %shift_right_arithmetic3A_231 = vector.broadcast %shift_right_arithmetic3A_230 : i32 to vector<16xi32>
      %shift_right_arithmetic3A_232 = arith.shrsi %get3A_229, %shift_right_arithmetic3A_231 : vector<16xi32>
      %swap3A_233 = arith.constant 5 : i32
      %swap3A_234 = arith.index_cast %swap3A_233 : i32 to index
      %swap3A_235 = arith.constant 0 : index
      %swap3A_236 = tpu.vector_load %arg8[%swap3A_234, %swap3A_235] {strides = array<i32>} : memref<13x64xi32, #tpu.memory_space<vmem>>, vector<16xi32>,
      tpu.vector_store %arg8[%swap3A_234, %swap3A_235], %shift_right_arithmetic3A_232 {strides = array<i32>} : memref<13x64xi32, #tpu.memory_space<vmem>>, vector<16xi32>,
      %get3A_237 = arith.constant 5 : i32
      %get3A_238 = arith.index_cast %get3A_237 : i32 to index
      %get3A_239 = arith.constant 16 : index
      %get3A_240 = tpu.vector_load %arg7[%get3A_238, %get3A_239] {strides = array<i32>} : memref<13x64xi32, #tpu.memory_space<vmem>>, vector<16xi32>,
      %shift_right_arithmetic3A_241 = arith.constant 2 : i32
      %shift_right_arithmetic3A_242 = vector.broadcast %shift_right_arithmetic3A_241 : i32 to vector<16xi32>
      %shift_right_arithmetic3A_243 = arith.shrsi %get3A_240, %shift_right_arithmetic3A_242 : vector<16xi32>
      %swap3A_244 = arith.constant 5 : i32
      %swap3A_245 = arith.index_cast %swap3A_244 : i32 to index
      %swap3A_246 = arith.constant 16 : index
      %swap3A_247 = tpu.vector_load %arg8[%swap3A_245, %swap3A_246] {strides = array<i32>} : memref<13x64xi32, #tpu.memory_space<vmem>>, vector<16xi32>,
      tpu.vector_store %arg8[%swap3A_245, %swap3A_246], %shift_right_arithmetic3A_243 {strides = array<i32>} : memref<13x64xi32, #tpu.memory_space<vmem>>, vector<16xi32>,
      %get3A_248 = arith.constant 5 : i32
      %get3A_249 = arith.index_cast %get3A_248 : i32 to index
      %get3A_250 = arith.constant 32 : index
      %get3A_251 = tpu.vector_load %arg7[%get3A_249, %get3A_250] {strides = array<i32>} : memref<13x64xi32, #tpu.memory_space<vmem>>, vector<16xi32>,
      %shift_right_arithmetic3A_252 = arith.constant 2 : i32
      %shift_right_arithmetic3A_253 = vector.broadcast %shift_right_arithmetic3A_252 : i32 to vector<16xi32>
      %shift_right_arithmetic3A_254 = arith.shrsi %get3A_251, %shift_right_arithmetic3A_253 : vector<16xi32>
      %swap3A_255 = arith.constant 5 : i32
      %swap3A_256 = arith.index_cast %swap3A_255 : i32 to index
      %swap3A_257 = arith.constant 32 : index
      %swap3A_258 = tpu.vector_load %arg8[%swap3A_256, %swap3A_257] {strides = array<i32>} : memref<13x64xi32, #tpu.memory_space<vmem>>, vector<16xi32>,
      tpu.vector_store %arg8[%swap3A_256, %swap3A_257], %shift_right_arithmetic3A_254 {strides = array<i32>} : memref<13x64xi32, #tpu.memory_space<vmem>>, vector<16xi32>,
      %get3A_259 = arith.constant 5 : i32
      %get3A_260 = arith.index_cast %get3A_259 : i32 to index
      %get3A_261 = arith.constant 48 : index
      %get3A_262 = tpu.vector_load %arg7[%get3A_260, %get3A_261] {strides = array<i32>} : memref<13x64xi32, #tpu.memory_space<vmem>>, vector<16xi32>,
      %shift_right_arithmetic3A_263 = arith.constant 2 : i32
      %shift_right_arithmetic3A_264 = vector.broadcast %shift_right_arithmetic3A_263 : i32 to vector<16xi32>
      %shift_right_arithmetic3A_265 = arith.shrsi %get3A_262, %shift_right_arithmetic3A_264 : vector<16xi32>
      %swap3A_266 = arith.constant 5 : i32
      %swap3A_267 = arith.index_cast %swap3A_266 : i32 to index
      %swap3A_268 = arith.constant 48 : index
      %swap3A_269 = tpu.vector_load %arg8[%swap3A_267, %swap3A_268] {strides = array<i32>} : memref<13x64xi32, #tpu.memory_space<vmem>>, vector<16xi32>,
      tpu.vector_store %arg8[%swap3A_267, %swap3A_268], %shift_right_arithmetic3A_265 {strides = array<i32>} : memref<13x64xi32, #tpu.memory_space<vmem>>, vector<16xi32>,
      %get3A_270 = arith.constant 6 : i32
      %get3A_271 = arith.index_cast %get3A_270 : i32 to index
      %get3A_272 = arith.constant 0 : index
      %get3A_273 = tpu.vector_load %arg7[%get3A_271, %get3A_272] {strides = array<i32>} : memref<13x64xi32, #tpu.memory_space<vmem>>, vector<16xi32>,
      %shift_right_arithmetic3A_274 = arith.constant 2 : i32
      %shift_right_arithmetic3A_275 = vector.broadcast %shift_right_arithmetic3A_274 : i32 to vector<16xi32>
      %shift_right_arithmetic3A_276 = arith.shrsi %get3A_273, %shift_right_arithmetic3A_275 : vector<16xi32>
      %swap3A_277 = arith.constant 6 : i32
      %swap3A_278 = arith.index_cast %swap3A_277 : i32 to index
      %swap3A_279 = arith.constant 0 : index
      %swap3A_280 = tpu.vector_load %arg8[%swap3A_278, %swap3A_279] {strides = array<i32>} : memref<13x64xi32, #tpu.memory_space<vmem>>, vector<16xi32>,
      tpu.vector_store %arg8[%swap3A_278, %swap3A_279], %shift_right_arithmetic3A_276 {strides = array<i32>} : memref<13x64xi32, #tpu.memory_space<vmem>>, vector<16xi32>,
      %get3A_281 = arith.constant 6 : i32
      %get3A_282 = arith.index_cast %get3A_281 : i32 to index
      %get3A_283 = arith.constant 16 : index
      %get3A_284 = tpu.vector_load %arg7[%get3A_282, %get3A_283] {strides = array<i32>} : memref<13x64xi32, #tpu.memory_space<vmem>>, vector<16xi32>,
      %shift_right_arithmetic3A_285 = arith.constant 2 : i32
      %shift_right_arithmetic3A_286 = vector.broadcast %shift_right_arithmetic3A_285 : i32 to vector<16xi32>
      %shift_right_arithmetic3A_287 = arith.shrsi %get3A_284, %shift_right_arithmetic3A_286 : vector<16xi32>
      %swap3A_288 = arith.constant 6 : i32
      %swap3A_289 = arith.index_cast %swap3A_288 : i32 to index
      %swap3A_290 = arith.constant 16 : index
      %swap3A_291 = tpu.vector_load %arg8[%swap3A_289, %swap3A_290] {strides = array<i32>} : memref<13x64xi32, #tpu.memory_space<vmem>>, vector<16xi32>,
      tpu.vector_store %arg8[%swap3A_289, %swap3A_290], %shift_right_arithmetic3A_287 {strides = array<i32>} : memref<13x64xi32, #tpu.memory_space<vmem>>, vector<16xi32>,
      %get3A_292 = arith.constant 6 : i32
      %get3A_293 = arith.index_cast %get3A_292 : i32 to index
      %get3A_294 = arith.constant 32 : index
      %get3A_295 = tpu.vector_load %arg7[%get3A_293, %get3A_294] {strides = array<i32>} : memref<13x64xi32, #tpu.memory_space<vmem>>, vector<16xi32>,
      %shift_right_arithmetic3A_296 = arith.constant 2 : i32
      %shift_right_arithmetic3A_297 = vector.broadcast %shift_right_arithmetic3A_296 : i32 to vector<16xi32>
      %shift_right_arithmetic3A_298 = arith.shrsi %get3A_295, %shift_right_arithmetic3A_297 : vector<16xi32>
      %swap3A_299 = arith.constant 6 : i32
      %swap3A_300 = arith.index_cast %swap3A_299 : i32 to index
      %swap3A_301 = arith.constant 32 : index
      %swap3A_302 = tpu.vector_load %arg8[%swap3A_300, %swap3A_301] {strides = array<i32>} : memref<13x64xi32, #tpu.memory_space<vmem>>, vector<16xi32>,
      tpu.vector_store %arg8[%swap3A_300, %swap3A_301], %shift_right_arithmetic3A_298 {strides = array<i32>} : memref<13x64xi32, #tpu.memory_space<vmem>>, vector<16xi32>,
      %get3A_303 = arith.constant 6 : i32
      %get3A_304 = arith.index_cast %get3A_303 : i32 to index
      %get3A_305 = arith.constant 48 : index
      %get3A_306 = tpu.vector_load %arg7[%get3A_304, %get3A_305] {strides = array<i32>} : memref<13x64xi32, #tpu.memory_space<vmem>>, vector<16xi32>,
      %shift_right_arithmetic3A_307 = arith.constant 2 : i32
      %shift_right_arithmetic3A_308 = vector.broadcast %shift_right_arithmetic3A_307 : i32 to vector<16xi32>
      %shift_right_arithmetic3A_309 = arith.shrsi %get3A_306, %shift_right_arithmetic3A_308 : vector<16xi32>
      %swap3A_310 = arith.constant 6 : i32
      %swap3A_311 = arith.index_cast %swap3A_310 : i32 to index
      %swap3A_312 = arith.constant 48 : index
      %swap3A_313 = tpu.vector_load %arg8[%swap3A_311, %swap3A_312] {strides = array<i32>} : memref<13x64xi32, #tpu.memory_space<vmem>>, vector<16xi32>,
      tpu.vector_store %arg8[%swap3A_311, %swap3A_312], %shift_right_arithmetic3A_309 {strides = array<i32>} : memref<13x64xi32, #tpu.memory_space<vmem>>, vector<16xi32>,
      %get3A_314 = arith.constant 7 : i32
      %get3A_315 = arith.index_cast %get3A_314 : i32 to index
      %get3A_316 = arith.constant 0 : index
      %get3A_317 = tpu.vector_load %arg7[%get3A_315, %get3A_316] {strides = array<i32>} : memref<13x64xi32, #tpu.memory_space<vmem>>, vector<16xi32>,
      %shift_right_arithmetic3A_318 = arith.constant 2 : i32
      %shift_right_arithmetic3A_319 = vector.broadcast %shift_right_arithmetic3A_318 : i32 to vector<16xi32>
      %shift_right_arithmetic3A_320 = arith.shrsi %get3A_317, %shift_right_arithmetic3A_319 : vector<16xi32>
      %swap3A_321 = arith.constant 7 : i32
      %swap3A_322 = arith.index_cast %swap3A_321 : i32 to index
      %swap3A_323 = arith.constant 0 : index
      %swap3A_324 = tpu.vector_load %arg8[%swap3A_322, %swap3A_323] {strides = array<i32>} : memref<13x64xi32, #tpu.memory_space<vmem>>, vector<16xi32>,
      tpu.vector_store %arg8[%swap3A_322, %swap3A_323], %shift_right_arithmetic3A_320 {strides = array<i32>} : memref<13x64xi32, #tpu.memory_space<vmem>>, vector<16xi32>,
      %get3A_325 = arith.constant 7 : i32
      %get3A_326 = arith.index_cast %get3A_325 : i32 to index
      %get3A_327 = arith.constant 16 : index
      %get3A_328 = tpu.vector_load %arg7[%get3A_326, %get3A_327] {strides = array<i32>} : memref<13x64xi32, #tpu.memory_space<vmem>>, vector<16xi32>,
      %shift_right_arithmetic3A_329 = arith.constant 2 : i32
      %shift_right_arithmetic3A_330 = vector.broadcast %shift_right_arithmetic3A_329 : i32 to vector<16xi32>
      %shift_right_arithmetic3A_331 = arith.shrsi %get3A_328, %shift_right_arithmetic3A_330 : vector<16xi32>
      %swap3A_332 = arith.constant 7 : i32
      %swap3A_333 = arith.index_cast %swap3A_332 : i32 to index
      %swap3A_334 = arith.constant 16 : index
      %swap3A_335 = tpu.vector_load %arg8[%swap3A_333, %swap3A_334] {strides = array<i32>} : memref<13x64xi32, #tpu.memory_space<vmem>>, vector<16xi32>,
      tpu.vector_store %arg8[%swap3A_333, %swap3A_334], %shift_right_arithmetic3A_331 {strides = array<i32>} : memref<13x64xi32, #tpu.memory_space<vmem>>, vector<16xi32>,
      %get3A_336 = arith.constant 7 : i32
      %get3A_337 = arith.index_cast %get3A_336 : i32 to index
      %get3A_338 = arith.constant 32 : index
      %get3A_339 = tpu.vector_load %arg7[%get3A_337, %get3A_338] {strides = array<i32>} : memref<13x64xi32, #tpu.memory_space<vmem>>, vector<16xi32>,
      %shift_right_arithmetic3A_340 = arith.constant 2 : i32
      %shift_right_arithmetic3A_341 = vector.broadcast %shift_right_arithmetic3A_340 : i32 to vector<16xi32>
      %shift_right_arithmetic3A_342 = arith.shrsi %get3A_339, %shift_right_arithmetic3A_341 : vector<16xi32>
      %swap3A_343 = arith.constant 7 : i32
      %swap3A_344 = arith.index_cast %swap3A_343 : i32 to index
      %swap3A_345 = arith.constant 32 : index
      %swap3A_346 = tpu.vector_load %arg8[%swap3A_344, %swap3A_345] {strides = array<i32>} : memref<13x64xi32, #tpu.memory_space<vmem>>, vector<16xi32>,
      tpu.vector_store %arg8[%swap3A_344, %swap3A_345], %shift_right_arithmetic3A_342 {strides = array<i32>} : memref<13x64xi32, #tpu.memory_space<vmem>>, vector<16xi32>,
      %get3A_347 = arith.constant 7 : i32
      %get3A_348 = arith.index_cast %get3A_347 : i32 to index
      %get3A_349 = arith.constant 48 : index
      %get3A_350 = tpu.vector_load %arg7[%get3A_348, %get3A_349] {strides = array<i32>} : memref<13x64xi32, #tpu.memory_space<vmem>>, vector<16xi32>,
      %shift_right_arithmetic3A_351 = arith.constant 2 : i32
      %shift_right_arithmetic3A_352 = vector.broadcast %shift_right_arithmetic3A_351 : i32 to vector<16xi32>
      %shift_right_arithmetic3A_353 = arith.shrsi %get3A_350, %shift_right_arithmetic3A_352 : vector<16xi32>
      %swap3A_354 = arith.constant 7 : i32
      %swap3A_355 = arith.index_cast %swap3A_354 : i32 to index
      %swap3A_356 = arith.constant 48 : index
      %swap3A_357 = tpu.vector_load %arg8[%swap3A_355, %swap3A_356] {strides = array<i32>} : memref<13x64xi32, #tpu.memory_space<vmem>>, vector<16xi32>,
      tpu.vector_store %arg8[%swap3A_355, %swap3A_356], %shift_right_arithmetic3A_353 {strides = array<i32>} : memref<13x64xi32, #tpu.memory_space<vmem>>, vector<16xi32>,
      %get3A_358 = arith.constant 8 : i32
      %get3A_359 = arith.index_cast %get3A_358 : i32 to index
      %get3A_360 = arith.constant 0 : index
      %get3A_361 = tpu.vector_load %arg7[%get3A_359, %get3A_360] {strides = array<i32>} : memref<13x64xi32, #tpu.memory_space<vmem>>, vector<16xi32>,
      %shift_right_arithmetic3A_362 = arith.constant 2 : i32
      %shift_right_arithmetic3A_363 = vector.broadcast %shift_right_arithmetic3A_362 : i32 to vector<16xi32>
      %shift_right_arithmetic3A_364 = arith.shrsi %get3A_361, %shift_right_arithmetic3A_363 : vector<16xi32>
      %swap3A_365 = arith.constant 8 : i32
      %swap3A_366 = arith.index_cast %swap3A_365 : i32 to index
      %swap3A_367 = arith.constant 0 : index
      %swap3A_368 = tpu.vector_load %arg8[%swap3A_366, %swap3A_367] {strides = array<i32>} : memref<13x64xi32, #tpu.memory_space<vmem>>, vector<16xi32>,
      tpu.vector_store %arg8[%swap3A_366, %swap3A_367], %shift_right_arithmetic3A_364 {strides = array<i32>} : memref<13x64xi32, #tpu.memory_space<vmem>>, vector<16xi32>,
      %get3A_369 = arith.constant 8 : i32
      %get3A_370 = arith.index_cast %get3A_369 : i32 to index
      %get3A_371 = arith.constant 16 : index
      %get3A_372 = tpu.vector_load %arg7[%get3A_370, %get3A_371] {strides = array<i32>} : memref<13x64xi32, #tpu.memory_space<vmem>>, vector<16xi32>,
      %shift_right_arithmetic3A_373 = arith.constant 2 : i32
      %shift_right_arithmetic3A_374 = vector.broadcast %shift_right_arithmetic3A_373 : i32 to vector<16xi32>
      %shift_right_arithmetic3A_375 = arith.shrsi %get3A_372, %shift_right_arithmetic3A_374 : vector<16xi32>
      %swap3A_376 = arith.constant 8 : i32
      %swap3A_377 = arith.index_cast %swap3A_376 : i32 to index
      %swap3A_378 = arith.constant 16 : index
      %swap3A_379 = tpu.vector_load %arg8[%swap3A_377, %swap3A_378] {strides = array<i32>} : memref<13x64xi32, #tpu.memory_space<vmem>>, vector<16xi32>,
      tpu.vector_store %arg8[%swap3A_377, %swap3A_378], %shift_right_arithmetic3A_375 {strides = array<i32>} : memref<13x64xi32, #tpu.memory_space<vmem>>, vector<16xi32>,
      %get3A_380 = arith.constant 8 : i32
      %get3A_381 = arith.index_cast %get3A_380 : i32 to index
      %get3A_382 = arith.constant 32 : index
      %get3A_383 = tpu.vector_load %arg7[%get3A_381, %get3A_382] {strides = array<i32>} : memref<13x64xi32, #tpu.memory_space<vmem>>, vector<16xi32>,
      %shift_right_arithmetic3A_384 = arith.constant 2 : i32
      %shift_right_arithmetic3A_385 = vector.broadcast %shift_right_arithmetic3A_384 : i32 to vector<16xi32>
      %shift_right_arithmetic3A_386 = arith.shrsi %get3A_383, %shift_right_arithmetic3A_385 : vector<16xi32>
      %swap3A_387 = arith.constant 8 : i32
      %swap3A_388 = arith.index_cast %swap3A_387 : i32 to index
      %swap3A_389 = arith.constant 32 : index
      %swap3A_390 = tpu.vector_load %arg8[%swap3A_388, %swap3A_389] {strides = array<i32>} : memref<13x64xi32, #tpu.memory_space<vmem>>, vector<16xi32>,
      tpu.vector_store %arg8[%swap3A_388, %swap3A_389], %shift_right_arithmetic3A_386 {strides = array<i32>} : memref<13x64xi32, #tpu.memory_space<vmem>>, vector<16xi32>,
      %get3A_391 = arith.constant 8 : i32
      %get3A_392 = arith.index_cast %get3A_391 : i32 to index
      %get3A_393 = arith.constant 48 : index
      %get3A_394 = tpu.vector_load %arg7[%get3A_392, %get3A_393] {strides = array<i32>} : memref<13x64xi32, #tpu.memory_space<vmem>>, vector<16xi32>,
      %shift_right_arithmetic3A_395 = arith.constant 2 : i32
      %shift_right_arithmetic3A_396 = vector.broadcast %shift_right_arithmetic3A_395 : i32 to vector<16xi32>
      %shift_right_arithmetic3A_397 = arith.shrsi %get3A_394, %shift_right_arithmetic3A_396 : vector<16xi32>
      %swap3A_398 = arith.constant 8 : i32
      %swap3A_399 = arith.index_cast %swap3A_398 : i32 to index
      %swap3A_400 = arith.constant 48 : index
      %swap3A_401 = tpu.vector_load %arg8[%swap3A_399, %swap3A_400] {strides = array<i32>} : memref<13x64xi32, #tpu.memory_space<vmem>>, vector<16xi32>,
      tpu.vector_store %arg8[%swap3A_399, %swap3A_400], %shift_right_arithmetic3A_397 {strides = array<i32>} : memref<13x64xi32, #tpu.memory_space<vmem>>, vector<16xi32>,
      %get3A_402 = arith.constant 9 : i32
      %get3A_403 = arith.index_cast %get3A_402 : i32 to index
      %get3A_404 = arith.constant 0 : index
      %get3A_405 = tpu.vector_load %arg7[%get3A_403, %get3A_404] {strides = array<i32>} : memref<13x64xi32, #tpu.memory_space<vmem>>, vector<16xi32>,
      %shift_right_arithmetic3A_406 = arith.constant 2 : i32
      %shift_right_arithmetic3A_407 = vector.broadcast %shift_right_arithmetic3A_406 : i32 to vector<16xi32>
      %shift_right_arithmetic3A_408 = arith.shrsi %get3A_405, %shift_right_arithmetic3A_407 : vector<16xi32>
      %swap3A_409 = arith.constant 9 : i32
      %swap3A_410 = arith.index_cast %swap3A_409 : i32 to index
      %swap3A_411 = arith.constant 0 : index
      %swap3A_412 = tpu.vector_load %arg8[%swap3A_410, %swap3A_411] {strides = array<i32>} : memref<13x64xi32, #tpu.memory_space<vmem>>, vector<16xi32>,
      tpu.vector_store %arg8[%swap3A_410, %swap3A_411], %shift_right_arithmetic3A_408 {strides = array<i32>} : memref<13x64xi32, #tpu.memory_space<vmem>>, vector<16xi32>,
      %get3A_413 = arith.constant 9 : i32
      %get3A_414 = arith.index_cast %get3A_413 : i32 to index
      %get3A_415 = arith.constant 16 : index
      %get3A_416 = tpu.vector_load %arg7[%get3A_414, %get3A_415] {strides = array<i32>} : memref<13x64xi32, #tpu.memory_space<vmem>>, vector<16xi32>,
      %shift_right_arithmetic3A_417 = arith.constant 2 : i32
      %shift_right_arithmetic3A_418 = vector.broadcast %shift_right_arithmetic3A_417 : i32 to vector<16xi32>
      %shift_right_arithmetic3A_419 = arith.shrsi %get3A_416, %shift_right_arithmetic3A_418 : vector<16xi32>
      %swap3A_420 = arith.constant 9 : i32
      %swap3A_421 = arith.index_cast %swap3A_420 : i32 to index
      %swap3A_422 = arith.constant 16 : index
      %swap3A_423 = tpu.vector_load %arg8[%swap3A_421, %swap3A_422] {strides = array<i32>} : memref<13x64xi32, #tpu.memory_space<vmem>>, vector<16xi32>,
      tpu.vector_store %arg8[%swap3A_421, %swap3A_422], %shift_right_arithmetic3A_419 {strides = array<i32>} : memref<13x64xi32, #tpu.memory_space<vmem>>, vector<16xi32>,
      %get3A_424 = arith.constant 9 : i32
      %get3A_425 = arith.index_cast %get3A_424 : i32 to index
      %get3A_426 = arith.constant 32 : index
      %get3A_427 = tpu.vector_load %arg7[%get3A_425, %get3A_426] {strides = array<i32>} : memref<13x64xi32, #tpu.memory_space<vmem>>, vector<16xi32>,
      %shift_right_arithmetic3A_428 = arith.constant 2 : i32
      %shift_right_arithmetic3A_429 = vector.broadcast %shift_right_arithmetic3A_428 : i32 to vector<16xi32>
      %shift_right_arithmetic3A_430 = arith.shrsi %get3A_427, %shift_right_arithmetic3A_429 : vector<16xi32>
      %swap3A_431 = arith.constant 9 : i32
      %swap3A_432 = arith.index_cast %swap3A_431 : i32 to index
      %swap3A_433 = arith.constant 32 : index
      %swap3A_434 = tpu.vector_load %arg8[%swap3A_432, %swap3A_433] {strides = array<i32>} : memref<13x64xi32, #tpu.memory_space<vmem>>, vector<16xi32>,
      tpu.vector_store %arg8[%swap3A_432, %swap3A_433], %shift_right_arithmetic3A_430 {strides = array<i32>} : memref<13x64xi32, #tpu.memory_space<vmem>>, vector<16xi32>,
      %get3A_435 = arith.constant 9 : i32
      %get3A_436 = arith.index_cast %get3A_435 : i32 to index
      %get3A_437 = arith.constant 48 : index
      %get3A_438 = tpu.vector_load %arg7[%get3A_436, %get3A_437] {strides = array<i32>} : memref<13x64xi32, #tpu.memory_space<vmem>>, vector<16xi32>,
      %shift_right_arithmetic3A_439 = arith.constant 2 : i32
      %shift_right_arithmetic3A_440 = vector.broadcast %shift_right_arithmetic3A_439 : i32 to vector<16xi32>
      %shift_right_arithmetic3A_441 = arith.shrsi %get3A_438, %shift_right_arithmetic3A_440 : vector<16xi32>
      %swap3A_442 = arith.constant 9 : i32
      %swap3A_443 = arith.index_cast %swap3A_442 : i32 to index
      %swap3A_444 = arith.constant 48 : index
      %swap3A_445 = tpu.vector_load %arg8[%swap3A_443, %swap3A_444] {strides = array<i32>} : memref<13x64xi32, #tpu.memory_space<vmem>>, vector<16xi32>,
      tpu.vector_store %arg8[%swap3A_443, %swap3A_444], %shift_right_arithmetic3A_441 {strides = array<i32>} : memref<13x64xi32, #tpu.memory_space<vmem>>, vector<16xi32>,
      %get3A_446 = arith.constant 10 : i32
      %get3A_447 = arith.index_cast %get3A_446 : i32 to index
      %get3A_448 = arith.constant 0 : index
      %get3A_449 = tpu.vector_load %arg7[%get3A_447, %get3A_448] {strides = array<i32>} : memref<13x64xi32, #tpu.memory_space<vmem>>, vector<16xi32>,
      %shift_right_arithmetic3A_450 = arith.constant 2 : i32
      %shift_right_arithmetic3A_451 = vector.broadcast %shift_right_arithmetic3A_450 : i32 to vector<16xi32>
      %shift_right_arithmetic3A_452 = arith.shrsi %get3A_449, %shift_right_arithmetic3A_451 : vector<16xi32>
      %swap3A_453 = arith.constant 10 : i32
      %swap3A_454 = arith.index_cast %swap3A_453 : i32 to index
      %swap3A_455 = arith.constant 0 : index
      %swap3A_456 = tpu.vector_load %arg8[%swap3A_454, %swap3A_455] {strides = array<i32>} : memref<13x64xi32, #tpu.memory_space<vmem>>, vector<16xi32>,
      tpu.vector_store %arg8[%swap3A_454, %swap3A_455], %shift_right_arithmetic3A_452 {strides = array<i32>} : memref<13x64xi32, #tpu.memory_space<vmem>>, vector<16xi32>,
      %get3A_457 = arith.constant 10 : i32
      %get3A_458 = arith.index_cast %get3A_457 : i32 to index
      %get3A_459 = arith.constant 16 : index
      %get3A_460 = tpu.vector_load %arg7[%get3A_458, %get3A_459] {strides = array<i32>} : memref<13x64xi32, #tpu.memory_space<vmem>>, vector<16xi32>,
      %shift_right_arithmetic3A_461 = arith.constant 2 : i32
      %shift_right_arithmetic3A_462 = vector.broadcast %shift_right_arithmetic3A_461 : i32 to vector<16xi32>
      %shift_right_arithmetic3A_463 = arith.shrsi %get3A_460, %shift_right_arithmetic3A_462 : vector<16xi32>
      %swap3A_464 = arith.constant 10 : i32
      %swap3A_465 = arith.index_cast %swap3A_464 : i32 to index
      %swap3A_466 = arith.constant 16 : index
      %swap3A_467 = tpu.vector_load %arg8[%swap3A_465, %swap3A_466] {strides = array<i32>} : memref<13x64xi32, #tpu.memory_space<vmem>>, vector<16xi32>,
      tpu.vector_store %arg8[%swap3A_465, %swap3A_466], %shift_right_arithmetic3A_463 {strides = array<i32>} : memref<13x64xi32, #tpu.memory_space<vmem>>, vector<16xi32>,
      %get3A_468 = arith.constant 10 : i32
      %get3A_469 = arith.index_cast %get3A_468 : i32 to index
      %get3A_470 = arith.constant 32 : index
      %get3A_471 = tpu.vector_load %arg7[%get3A_469, %get3A_470] {strides = array<i32>} : memref<13x64xi32, #tpu.memory_space<vmem>>, vector<16xi32>,
      %shift_right_arithmetic3A_472 = arith.constant 2 : i32
      %shift_right_arithmetic3A_473 = vector.broadcast %shift_right_arithmetic3A_472 : i32 to vector<16xi32>
      %shift_right_arithmetic3A_474 = arith.shrsi %get3A_471, %shift_right_arithmetic3A_473 : vector<16xi32>
      %swap3A_475 = arith.constant 10 : i32
      %swap3A_476 = arith.index_cast %swap3A_475 : i32 to index
      %swap3A_477 = arith.constant 32 : index
      %swap3A_478 = tpu.vector_load %arg8[%swap3A_476, %swap3A_477] {strides = array<i32>} : memref<13x64xi32, #tpu.memory_space<vmem>>, vector<16xi32>,
      tpu.vector_store %arg8[%swap3A_476, %swap3A_477], %shift_right_arithmetic3A_474 {strides = array<i32>} : memref<13x64xi32, #tpu.memory_space<vmem>>, vector<16xi32>,
      %get3A_479 = arith.constant 10 : i32
      %get3A_480 = arith.index_cast %get3A_479 : i32 to index
      %get3A_481 = arith.constant 48 : index
      %get3A_482 = tpu.vector_load %arg7[%get3A_480, %get3A_481] {strides = array<i32>} : memref<13x64xi32, #tpu.memory_space<vmem>>, vector<16xi32>,
      %shift_right_arithmetic3A_483 = arith.constant 2 : i32
      %shift_right_arithmetic3A_484 = vector.broadcast %shift_right_arithmetic3A_483 : i32 to vector<16xi32>
      %shift_right_arithmetic3A_485 = arith.shrsi %get3A_482, %shift_right_arithmetic3A_484 : vector<16xi32>
      %swap3A_486 = arith.constant 10 : i32
      %swap3A_487 = arith.index_cast %swap3A_486 : i32 to index
      %swap3A_488 = arith.constant 48 : index
      %swap3A_489 = tpu.vector_load %arg8[%swap3A_487, %swap3A_488] {strides = array<i32>} : memref<13x64xi32, #tpu.memory_space<vmem>>, vector<16xi32>,
      tpu.vector_store %arg8[%swap3A_487, %swap3A_488], %shift_right_arithmetic3A_485 {strides = array<i32>} : memref<13x64xi32, #tpu.memory_space<vmem>>, vector<16xi32>,
      %get3A_490 = arith.constant 11 : i32
      %get3A_491 = arith.index_cast %get3A_490 : i32 to index
      %get3A_492 = arith.constant 0 : index
      %get3A_493 = tpu.vector_load %arg7[%get3A_491, %get3A_492] {strides = array<i32>} : memref<13x64xi32, #tpu.memory_space<vmem>>, vector<16xi32>,
      %shift_right_arithmetic3A_494 = arith.constant 2 : i32
      %shift_right_arithmetic3A_495 = vector.broadcast %shift_right_arithmetic3A_494 : i32 to vector<16xi32>
      %shift_right_arithmetic3A_496 = arith.shrsi %get3A_493, %shift_right_arithmetic3A_495 : vector<16xi32>
      %swap3A_497 = arith.constant 11 : i32
      %swap3A_498 = arith.index_cast %swap3A_497 : i32 to index
      %swap3A_499 = arith.constant 0 : index
      %swap3A_500 = tpu.vector_load %arg8[%swap3A_498, %swap3A_499] {strides = array<i32>} : memref<13x64xi32, #tpu.memory_space<vmem>>, vector<16xi32>,
      tpu.vector_store %arg8[%swap3A_498, %swap3A_499], %shift_right_arithmetic3A_496 {strides = array<i32>} : memref<13x64xi32, #tpu.memory_space<vmem>>, vector<16xi32>,
      %get3A_501 = arith.constant 11 : i32
      %get3A_502 = arith.index_cast %get3A_501 : i32 to index
      %get3A_503 = arith.constant 16 : index
      %get3A_504 = tpu.vector_load %arg7[%get3A_502, %get3A_503] {strides = array<i32>} : memref<13x64xi32, #tpu.memory_space<vmem>>, vector<16xi32>,
      %shift_right_arithmetic3A_505 = arith.constant 2 : i32
      %shift_right_arithmetic3A_506 = vector.broadcast %shift_right_arithmetic3A_505 : i32 to vector<16xi32>
      %shift_right_arithmetic3A_507 = arith.shrsi %get3A_504, %shift_right_arithmetic3A_506 : vector<16xi32>
      %swap3A_508 = arith.constant 11 : i32
      %swap3A_509 = arith.index_cast %swap3A_508 : i32 to index
      %swap3A_510 = arith.constant 16 : index
      %swap3A_511 = tpu.vector_load %arg8[%swap3A_509, %swap3A_510] {strides = array<i32>} : memref<13x64xi32, #tpu.memory_space<vmem>>, vector<16xi32>,
      tpu.vector_store %arg8[%swap3A_509, %swap3A_510], %shift_right_arithmetic3A_507 {strides = array<i32>} : memref<13x64xi32, #tpu.memory_space<vmem>>, vector<16xi32>,
      %get3A_512 = arith.constant 11 : i32
      %get3A_513 = arith.index_cast %get3A_512 : i32 to index
      %get3A_514 = arith.constant 32 : index
      %get3A_515 = tpu.vector_load %arg7[%get3A_513, %get3A_514] {strides = array<i32>} : memref<13x64xi32, #tpu.memory_space<vmem>>, vector<16xi32>,
      %shift_right_arithmetic3A_516 = arith.constant 2 : i32
      %shift_right_arithmetic3A_517 = vector.broadcast %shift_right_arithmetic3A_516 : i32 to vector<16xi32>
      %shift_right_arithmetic3A_518 = arith.shrsi %get3A_515, %shift_right_arithmetic3A_517 : vector<16xi32>
      %swap3A_519 = arith.constant 11 : i32
      %swap3A_520 = arith.index_cast %swap3A_519 : i32 to index
      %swap3A_521 = arith.constant 32 : index
      %swap3A_522 = tpu.vector_load %arg8[%swap3A_520, %swap3A_521] {strides = array<i32>} : memref<13x64xi32, #tpu.memory_space<vmem>>, vector<16xi32>,
      tpu.vector_store %arg8[%swap3A_520, %swap3A_521], %shift_right_arithmetic3A_518 {strides = array<i32>} : memref<13x64xi32, #tpu.memory_space<vmem>>, vector<16xi32>,
      %get3A_523 = arith.constant 11 : i32
      %get3A_524 = arith.index_cast %get3A_523 : i32 to index
      %get3A_525 = arith.constant 48 : index
      %get3A_526 = tpu.vector_load %arg7[%get3A_524, %get3A_525] {strides = array<i32>} : memref<13x64xi32, #tpu.memory_space<vmem>>, vector<16xi32>,
      %shift_right_arithmetic3A_527 = arith.constant 2 : i32
      %shift_right_arithmetic3A_528 = vector.broadcast %shift_right_arithmetic3A_527 : i32 to vector<16xi32>
      %shift_right_arithmetic3A_529 = arith.shrsi %get3A_526, %shift_right_arithmetic3A_528 : vector<16xi32>
      %swap3A_530 = arith.constant 11 : i32
      %swap3A_531 = arith.index_cast %swap3A_530 : i32 to index
      %swap3A_532 = arith.constant 48 : index
      %swap3A_533 = tpu.vector_load %arg8[%swap3A_531, %swap3A_532] {strides = array<i32>} : memref<13x64xi32, #tpu.memory_space<vmem>>, vector<16xi32>,
      tpu.vector_store %arg8[%swap3A_531, %swap3A_532], %shift_right_arithmetic3A_529 {strides = array<i32>} : memref<13x64xi32, #tpu.memory_space<vmem>>, vector<16xi32>,
      %get3A_534 = arith.constant 12 : i32
      %get3A_535 = arith.index_cast %get3A_534 : i32 to index
      %get3A_536 = arith.constant 0 : index
      %get3A_537 = tpu.vector_load %arg7[%get3A_535, %get3A_536] {strides = array<i32>} : memref<13x64xi32, #tpu.memory_space<vmem>>, vector<16xi32>,
      %shift_right_arithmetic3A_538 = arith.constant 2 : i32
      %shift_right_arithmetic3A_539 = vector.broadcast %shift_right_arithmetic3A_538 : i32 to vector<16xi32>
      %shift_right_arithmetic3A_540 = arith.shrsi %get3A_537, %shift_right_arithmetic3A_539 : vector<16xi32>
      %swap3A_541 = arith.constant 12 : i32
      %swap3A_542 = arith.index_cast %swap3A_541 : i32 to index
      %swap3A_543 = arith.constant 0 : index
      %swap3A_544 = tpu.vector_load %arg8[%swap3A_542, %swap3A_543] {strides = array<i32>} : memref<13x64xi32, #tpu.memory_space<vmem>>, vector<16xi32>,
      tpu.vector_store %arg8[%swap3A_542, %swap3A_543], %shift_right_arithmetic3A_540 {strides = array<i32>} : memref<13x64xi32, #tpu.memory_space<vmem>>, vector<16xi32>,
      %get3A_545 = arith.constant 12 : i32
      %get3A_546 = arith.index_cast %get3A_545 : i32 to index
      %get3A_547 = arith.constant 16 : index
      %get3A_548 = tpu.vector_load %arg7[%get3A_546, %get3A_547] {strides = array<i32>} : memref<13x64xi32, #tpu.memory_space<vmem>>, vector<16xi32>,
      %shift_right_arithmetic3A_549 = arith.constant 2 : i32
      %shift_right_arithmetic3A_550 = vector.broadcast %shift_right_arithmetic3A_549 : i32 to vector<16xi32>
      %shift_right_arithmetic3A_551 = arith.shrsi %get3A_548, %shift_right_arithmetic3A_550 : vector<16xi32>
      %swap3A_552 = arith.constant 12 : i32
      %swap3A_553 = arith.index_cast %swap3A_552 : i32 to index
      %swap3A_554 = arith.constant 16 : index
      %swap3A_555 = tpu.vector_load %arg8[%swap3A_553, %swap3A_554] {strides = array<i32>} : memref<13x64xi32, #tpu.memory_space<vmem>>, vector<16xi32>,
      tpu.vector_store %arg8[%swap3A_553, %swap3A_554], %shift_right_arithmetic3A_551 {strides = array<i32>} : memref<13x64xi32, #tpu.memory_space<vmem>>, vector<16xi32>,
      %get3A_556 = arith.constant 12 : i32
      %get3A_557 = arith.index_cast %get3A_556 : i32 to index
      %get3A_558 = arith.constant 32 : index
      %get3A_559 = tpu.vector_load %arg7[%get3A_557, %get3A_558] {strides = array<i32>} : memref<13x64xi32, #tpu.memory_space<vmem>>, vector<16xi32>,
      %shift_right_arithmetic3A_560 = arith.constant 2 : i32
      %shift_right_arithmetic3A_561 = vector.broadcast %shift_right_arithmetic3A_560 : i32 to vector<16xi32>
      %shift_right_arithmetic3A_562 = arith.shrsi %get3A_559, %shift_right_arithmetic3A_561 : vector<16xi32>
      %swap3A_563 = arith.constant 12 : i32
      %swap3A_564 = arith.index_cast %swap3A_563 : i32 to index
      %swap3A_565 = arith.constant 32 : index
      %swap3A_566 = tpu.vector_load %arg8[%swap3A_564, %swap3A_565] {strides = array<i32>} : memref<13x64xi32, #tpu.memory_space<vmem>>, vector<16xi32>,
      tpu.vector_store %arg8[%swap3A_564, %swap3A_565], %shift_right_arithmetic3A_562 {strides = array<i32>} : memref<13x64xi32, #tpu.memory_space<vmem>>, vector<16xi32>,
      %get3A_567 = arith.constant 12 : i32
      %get3A_568 = arith.index_cast %get3A_567 : i32 to index
      %get3A_569 = arith.constant 48 : index
      %get3A_570 = tpu.vector_load %arg7[%get3A_568, %get3A_569] {strides = array<i32>} : memref<13x64xi32, #tpu.memory_space<vmem>>, vector<16xi32>,
      %shift_right_arithmetic3A_571 = arith.constant 2 : i32
      %shift_right_arithmetic3A_572 = vector.broadcast %shift_right_arithmetic3A_571 : i32 to vector<16xi32>
      %shift_right_arithmetic3A_573 = arith.shrsi %get3A_570, %shift_right_arithmetic3A_572 : vector<16xi32>
      %swap3A_574 = arith.constant 12 : i32
      %swap3A_575 = arith.index_cast %swap3A_574 : i32 to index
      %swap3A_576 = arith.constant 48 : index
      %swap3A_577 = tpu.vector_load %arg8[%swap3A_575, %swap3A_576] {strides = array<i32>} : memref<13x64xi32, #tpu.memory_space<vmem>>, vector<16xi32>,
      tpu.vector_store %arg8[%swap3A_575, %swap3A_576], %shift_right_arithmetic3A_573 {strides = array<i32>} : memref<13x64xi32, #tpu.memory_space<vmem>>, vector<16xi32>,
      %dma_start3A = arith.constant 0 : i32
      %dma_start3A_578 = arith.constant 0 : i32
      %dma_start3A_579 = arith.constant 0 : i32
      %dma_start3A_580 = tpu.memref_slice %arg9[%dma_start3A_578, %dma_start3A_579] : memref<832x128xf32, #tpu.memory_space<vmem>> -> memref<64x128xf32, #tpu.memory_space<vmem>>
      %dma_start3A_581 = arith.constant 0 : i32
      %dma_start3A_582 = tpu.memref_slice %arg8[%dma_start3A, %dma_start3A_581] : memref<13x64xi32, #tpu.memory_space<vmem>> -> memref<1x64xi32, #tpu.memory_space<vmem>>
      %dma_start3A_583 = tpu.memref_squeeze %dma_start3A_582 : memref<1x64xi32, #tpu.memory_space<vmem>> -> memref<64xi32, #tpu.memory_space<vmem>>
      %dma_start3A_584 = arith.constant 0 : i32
      %dma_start3A_585 = arith.constant 0 : i32
      %dma_start3A_586 = tpu.memref_slice %arg4[%dma_start3A_584, %dma_start3A_585] : memref<250000x128xf32, #tpu.memory_space<hbm>> -> memref<250000x128xf32, #tpu.memory_space<hbm>>
      tpu.enqueue_indirect_dma source(%dma_start3A_586 : memref<250000x128xf32, #tpu.memory_space<hbm>>) target(%dma_start3A_580 : memref<64x128xf32, #tpu.memory_space<vmem>>) offsets(%dma_start3A_583 : memref<64xi32, #tpu.memory_space<vmem>>) semaphore(%arg13 : memref<!tpu.dma_semaphore, #tpu.memory_space<semaphore_mem>>)
      %dma_start3A_587 = arith.constant 1 : i32
      %dma_start3A_588 = arith.constant 64 : i32
      %dma_start3A_589 = arith.constant 0 : i32
      %dma_start3A_590 = tpu.memref_slice %arg9[%dma_start3A_588, %dma_start3A_589] : memref<832x128xf32, #tpu.memory_space<vmem>> -> memref<64x128xf32, #tpu.memory_space<vmem>>
      %dma_start3A_591 = arith.constant 0 : i32
      %dma_start3A_592 = tpu.memref_slice %arg8[%dma_start3A_587, %dma_start3A_591] : memref<13x64xi32, #tpu.memory_space<vmem>> -> memref<1x64xi32, #tpu.memory_space<vmem>>
      %dma_start3A_593 = tpu.memref_squeeze %dma_start3A_592 : memref<1x64xi32, #tpu.memory_space<vmem>> -> memref<64xi32, #tpu.memory_space<vmem>>
      %dma_start3A_594 = arith.constant 0 : i32
      %dma_start3A_595 = arith.constant 0 : i32
      %dma_start3A_596 = tpu.memref_slice %arg4[%dma_start3A_594, %dma_start3A_595] : memref<250000x128xf32, #tpu.memory_space<hbm>> -> memref<250000x128xf32, #tpu.memory_space<hbm>>
      tpu.enqueue_indirect_dma source(%dma_start3A_596 : memref<250000x128xf32, #tpu.memory_space<hbm>>) target(%dma_start3A_590 : memref<64x128xf32, #tpu.memory_space<vmem>>) offsets(%dma_start3A_593 : memref<64xi32, #tpu.memory_space<vmem>>) semaphore(%arg13 : memref<!tpu.dma_semaphore, #tpu.memory_space<semaphore_mem>>)
      %dma_start3A_597 = arith.constant 2 : i32
      %dma_start3A_598 = arith.constant 128 : i32
      %dma_start3A_599 = arith.constant 0 : i32
      %dma_start3A_600 = tpu.memref_slice %arg9[%dma_start3A_598, %dma_start3A_599] : memref<832x128xf32, #tpu.memory_space<vmem>> -> memref<64x128xf32, #tpu.memory_space<vmem>>
      %dma_start3A_601 = arith.constant 0 : i32
      %dma_start3A_602 = tpu.memref_slice %arg8[%dma_start3A_597, %dma_start3A_601] : memref<13x64xi32, #tpu.memory_space<vmem>> -> memref<1x64xi32, #tpu.memory_space<vmem>>
      %dma_start3A_603 = tpu.memref_squeeze %dma_start3A_602 : memref<1x64xi32, #tpu.memory_space<vmem>> -> memref<64xi32, #tpu.memory_space<vmem>>
      %dma_start3A_604 = arith.constant 0 : i32
      %dma_start3A_605 = arith.constant 0 : i32
      %dma_start3A_606 = tpu.memref_slice %arg4[%dma_start3A_604, %dma_start3A_605] : memref<250000x128xf32, #tpu.memory_space<hbm>> -> memref<250000x128xf32, #tpu.memory_space<hbm>>
      tpu.enqueue_indirect_dma source(%dma_start3A_606 : memref<250000x128xf32, #tpu.memory_space<hbm>>) target(%dma_start3A_600 : memref<64x128xf32, #tpu.memory_space<vmem>>) offsets(%dma_start3A_603 : memref<64xi32, #tpu.memory_space<vmem>>) semaphore(%arg13 : memref<!tpu.dma_semaphore, #tpu.memory_space<semaphore_mem>>)
      %dma_start3A_607 = arith.constant 3 : i32
      %dma_start3A_608 = arith.constant 192 : i32
      %dma_start3A_609 = arith.constant 0 : i32
      %dma_start3A_610 = tpu.memref_slice %arg9[%dma_start3A_608, %dma_start3A_609] : memref<832x128xf32, #tpu.memory_space<vmem>> -> memref<64x128xf32, #tpu.memory_space<vmem>>
      %dma_start3A_611 = arith.constant 0 : i32
      %dma_start3A_612 = tpu.memref_slice %arg8[%dma_start3A_607, %dma_start3A_611] : memref<13x64xi32, #tpu.memory_space<vmem>> -> memref<1x64xi32, #tpu.memory_space<vmem>>
      %dma_start3A_613 = tpu.memref_squeeze %dma_start3A_612 : memref<1x64xi32, #tpu.memory_space<vmem>> -> memref<64xi32, #tpu.memory_space<vmem>>
      %dma_start3A_614 = arith.constant 0 : i32
      %dma_start3A_615 = arith.constant 0 : i32
      %dma_start3A_616 = tpu.memref_slice %arg4[%dma_start3A_614, %dma_start3A_615] : memref<250000x128xf32, #tpu.memory_space<hbm>> -> memref<250000x128xf32, #tpu.memory_space<hbm>>
      tpu.enqueue_indirect_dma source(%dma_start3A_616 : memref<250000x128xf32, #tpu.memory_space<hbm>>) target(%dma_start3A_610 : memref<64x128xf32, #tpu.memory_space<vmem>>) offsets(%dma_start3A_613 : memref<64xi32, #tpu.memory_space<vmem>>) semaphore(%arg13 : memref<!tpu.dma_semaphore, #tpu.memory_space<semaphore_mem>>)
      %dma_start3A_617 = arith.constant 4 : i32
      %dma_start3A_618 = arith.constant 256 : i32
      %dma_start3A_619 = arith.constant 0 : i32
      %dma_start3A_620 = tpu.memref_slice %arg9[%dma_start3A_618, %dma_start3A_619] : memref<832x128xf32, #tpu.memory_space<vmem>> -> memref<64x128xf32, #tpu.memory_space<vmem>>
      %dma_start3A_621 = arith.constant 0 : i32
      %dma_start3A_622 = tpu.memref_slice %arg8[%dma_start3A_617, %dma_start3A_621] : memref<13x64xi32, #tpu.memory_space<vmem>> -> memref<1x64xi32, #tpu.memory_space<vmem>>
      %dma_start3A_623 = tpu.memref_squeeze %dma_start3A_622 : memref<1x64xi32, #tpu.memory_space<vmem>> -> memref<64xi32, #tpu.memory_space<vmem>>
      %dma_start3A_624 = arith.constant 0 : i32
      %dma_start3A_625 = arith.constant 0 : i32
      %dma_start3A_626 = tpu.memref_slice %arg4[%dma_start3A_624, %dma_start3A_625] : memref<250000x128xf32, #tpu.memory_space<hbm>> -> memref<250000x128xf32, #tpu.memory_space<hbm>>
      tpu.enqueue_indirect_dma source(%dma_start3A_626 : memref<250000x128xf32, #tpu.memory_space<hbm>>) target(%dma_start3A_620 : memref<64x128xf32, #tpu.memory_space<vmem>>) offsets(%dma_start3A_623 : memref<64xi32, #tpu.memory_space<vmem>>) semaphore(%arg13 : memref<!tpu.dma_semaphore, #tpu.memory_space<semaphore_mem>>)
      %dma_start3A_627 = arith.constant 5 : i32
      %dma_start3A_628 = arith.constant 320 : i32
      %dma_start3A_629 = arith.constant 0 : i32
      %dma_start3A_630 = tpu.memref_slice %arg9[%dma_start3A_628, %dma_start3A_629] : memref<832x128xf32, #tpu.memory_space<vmem>> -> memref<64x128xf32, #tpu.memory_space<vmem>>
      %dma_start3A_631 = arith.constant 0 : i32
      %dma_start3A_632 = tpu.memref_slice %arg8[%dma_start3A_627, %dma_start3A_631] : memref<13x64xi32, #tpu.memory_space<vmem>> -> memref<1x64xi32, #tpu.memory_space<vmem>>
      %dma_start3A_633 = tpu.memref_squeeze %dma_start3A_632 : memref<1x64xi32, #tpu.memory_space<vmem>> -> memref<64xi32, #tpu.memory_space<vmem>>
      %dma_start3A_634 = arith.constant 0 : i32
      %dma_start3A_635 = arith.constant 0 : i32
      %dma_start3A_636 = tpu.memref_slice %arg4[%dma_start3A_634, %dma_start3A_635] : memref<250000x128xf32, #tpu.memory_space<hbm>> -> memref<250000x128xf32, #tpu.memory_space<hbm>>
      tpu.enqueue_indirect_dma source(%dma_start3A_636 : memref<250000x128xf32, #tpu.memory_space<hbm>>) target(%dma_start3A_630 : memref<64x128xf32, #tpu.memory_space<vmem>>) offsets(%dma_start3A_633 : memref<64xi32, #tpu.memory_space<vmem>>) semaphore(%arg13 : memref<!tpu.dma_semaphore, #tpu.memory_space<semaphore_mem>>)
      %dma_start3A_637 = arith.constant 6 : i32
      %dma_start3A_638 = arith.constant 384 : i32
      %dma_start3A_639 = arith.constant 0 : i32
      %dma_start3A_640 = tpu.memref_slice %arg9[%dma_start3A_638, %dma_start3A_639] : memref<832x128xf32, #tpu.memory_space<vmem>> -> memref<64x128xf32, #tpu.memory_space<vmem>>
      %dma_start3A_641 = arith.constant 0 : i32
      %dma_start3A_642 = tpu.memref_slice %arg8[%dma_start3A_637, %dma_start3A_641] : memref<13x64xi32, #tpu.memory_space<vmem>> -> memref<1x64xi32, #tpu.memory_space<vmem>>
      %dma_start3A_643 = tpu.memref_squeeze %dma_start3A_642 : memref<1x64xi32, #tpu.memory_space<vmem>> -> memref<64xi32, #tpu.memory_space<vmem>>
      %dma_start3A_644 = arith.constant 0 : i32
      %dma_start3A_645 = arith.constant 0 : i32
      %dma_start3A_646 = tpu.memref_slice %arg4[%dma_start3A_644, %dma_start3A_645] : memref<250000x128xf32, #tpu.memory_space<hbm>> -> memref<250000x128xf32, #tpu.memory_space<hbm>>
      tpu.enqueue_indirect_dma source(%dma_start3A_646 : memref<250000x128xf32, #tpu.memory_space<hbm>>) target(%dma_start3A_640 : memref<64x128xf32, #tpu.memory_space<vmem>>) offsets(%dma_start3A_643 : memref<64xi32, #tpu.memory_space<vmem>>) semaphore(%arg13 : memref<!tpu.dma_semaphore, #tpu.memory_space<semaphore_mem>>)
      %dma_start3A_647 = arith.constant 7 : i32
      %dma_start3A_648 = arith.constant 448 : i32
      %dma_start3A_649 = arith.constant 0 : i32
      %dma_start3A_650 = tpu.memref_slice %arg9[%dma_start3A_648, %dma_start3A_649] : memref<832x128xf32, #tpu.memory_space<vmem>> -> memref<64x128xf32, #tpu.memory_space<vmem>>
      %dma_start3A_651 = arith.constant 0 : i32
      %dma_start3A_652 = tpu.memref_slice %arg8[%dma_start3A_647, %dma_start3A_651] : memref<13x64xi32, #tpu.memory_space<vmem>> -> memref<1x64xi32, #tpu.memory_space<vmem>>
      %dma_start3A_653 = tpu.memref_squeeze %dma_start3A_652 : memref<1x64xi32, #tpu.memory_space<vmem>> -> memref<64xi32, #tpu.memory_space<vmem>>
      %dma_start3A_654 = arith.constant 0 : i32
      %dma_start3A_655 = arith.constant 0 : i32
      %dma_start3A_656 = tpu.memref_slice %arg4[%dma_start3A_654, %dma_start3A_655] : memref<250000x128xf32, #tpu.memory_space<hbm>> -> memref<250000x128xf32, #tpu.memory_space<hbm>>
      tpu.enqueue_indirect_dma source(%dma_start3A_656 : memref<250000x128xf32, #tpu.memory_space<hbm>>) target(%dma_start3A_650 : memref<64x128xf32, #tpu.memory_space<vmem>>) offsets(%dma_start3A_653 : memref<64xi32, #tpu.memory_space<vmem>>) semaphore(%arg13 : memref<!tpu.dma_semaphore, #tpu.memory_space<semaphore_mem>>)
      %dma_start3A_657 = arith.constant 8 : i32
      %dma_start3A_658 = arith.constant 512 : i32
      %dma_start3A_659 = arith.constant 0 : i32
      %dma_start3A_660 = tpu.memref_slice %arg9[%dma_start3A_658, %dma_start3A_659] : memref<832x128xf32, #tpu.memory_space<vmem>> -> memref<64x128xf32, #tpu.memory_space<vmem>>
      %dma_start3A_661 = arith.constant 0 : i32
      %dma_start3A_662 = tpu.memref_slice %arg8[%dma_start3A_657, %dma_start3A_661] : memref<13x64xi32, #tpu.memory_space<vmem>> -> memref<1x64xi32, #tpu.memory_space<vmem>>
      %dma_start3A_663 = tpu.memref_squeeze %dma_start3A_662 : memref<1x64xi32, #tpu.memory_space<vmem>> -> memref<64xi32, #tpu.memory_space<vmem>>
      %dma_start3A_664 = arith.constant 0 : i32
      %dma_start3A_665 = arith.constant 0 : i32
      %dma_start3A_666 = tpu.memref_slice %arg4[%dma_start3A_664, %dma_start3A_665] : memref<250000x128xf32, #tpu.memory_space<hbm>> -> memref<250000x128xf32, #tpu.memory_space<hbm>>
      tpu.enqueue_indirect_dma source(%dma_start3A_666 : memref<250000x128xf32, #tpu.memory_space<hbm>>) target(%dma_start3A_660 : memref<64x128xf32, #tpu.memory_space<vmem>>) offsets(%dma_start3A_663 : memref<64xi32, #tpu.memory_space<vmem>>) semaphore(%arg13 : memref<!tpu.dma_semaphore, #tpu.memory_space<semaphore_mem>>)
      %dma_start3A_667 = arith.constant 9 : i32
      %dma_start3A_668 = arith.constant 576 : i32
      %dma_start3A_669 = arith.constant 0 : i32
      %dma_start3A_670 = tpu.memref_slice %arg9[%dma_start3A_668, %dma_start3A_669] : memref<832x128xf32, #tpu.memory_space<vmem>> -> memref<64x128xf32, #tpu.memory_space<vmem>>
      %dma_start3A_671 = arith.constant 0 : i32
      %dma_start3A_672 = tpu.memref_slice %arg8[%dma_start3A_667, %dma_start3A_671] : memref<13x64xi32, #tpu.memory_space<vmem>> -> memref<1x64xi32, #tpu.memory_space<vmem>>
      %dma_start3A_673 = tpu.memref_squeeze %dma_start3A_672 : memref<1x64xi32, #tpu.memory_space<vmem>> -> memref<64xi32, #tpu.memory_space<vmem>>
      %dma_start3A_674 = arith.constant 0 : i32
      %dma_start3A_675 = arith.constant 0 : i32
      %dma_start3A_676 = tpu.memref_slice %arg4[%dma_start3A_674, %dma_start3A_675] : memref<250000x128xf32, #tpu.memory_space<hbm>> -> memref<250000x128xf32, #tpu.memory_space<hbm>>
      tpu.enqueue_indirect_dma source(%dma_start3A_676 : memref<250000x128xf32, #tpu.memory_space<hbm>>) target(%dma_start3A_670 : memref<64x128xf32, #tpu.memory_space<vmem>>) offsets(%dma_start3A_673 : memref<64xi32, #tpu.memory_space<vmem>>) semaphore(%arg13 : memref<!tpu.dma_semaphore, #tpu.memory_space<semaphore_mem>>)
      %dma_start3A_677 = arith.constant 10 : i32
      %dma_start3A_678 = arith.constant 640 : i32
      %dma_start3A_679 = arith.constant 0 : i32
      %dma_start3A_680 = tpu.memref_slice %arg9[%dma_start3A_678, %dma_start3A_679] : memref<832x128xf32, #tpu.memory_space<vmem>> -> memref<64x128xf32, #tpu.memory_space<vmem>>
      %dma_start3A_681 = arith.constant 0 : i32
      %dma_start3A_682 = tpu.memref_slice %arg8[%dma_start3A_677, %dma_start3A_681] : memref<13x64xi32, #tpu.memory_space<vmem>> -> memref<1x64xi32, #tpu.memory_space<vmem>>
      %dma_start3A_683 = tpu.memref_squeeze %dma_start3A_682 : memref<1x64xi32, #tpu.memory_space<vmem>> -> memref<64xi32, #tpu.memory_space<vmem>>
      %dma_start3A_684 = arith.constant 0 : i32
      %dma_start3A_685 = arith.constant 0 : i32
      %dma_start3A_686 = tpu.memref_slice %arg4[%dma_start3A_684, %dma_start3A_685] : memref<250000x128xf32, #tpu.memory_space<hbm>> -> memref<250000x128xf32, #tpu.memory_space<hbm>>
      tpu.enqueue_indirect_dma source(%dma_start3A_686 : memref<250000x128xf32, #tpu.memory_space<hbm>>) target(%dma_start3A_680 : memref<64x128xf32, #tpu.memory_space<vmem>>) offsets(%dma_start3A_683 : memref<64xi32, #tpu.memory_space<vmem>>) semaphore(%arg13 : memref<!tpu.dma_semaphore, #tpu.memory_space<semaphore_mem>>)
      %dma_start3A_687 = arith.constant 11 : i32
      %dma_start3A_688 = arith.constant 704 : i32
      %dma_start3A_689 = arith.constant 0 : i32
      %dma_start3A_690 = tpu.memref_slice %arg9[%dma_start3A_688, %dma_start3A_689] : memref<832x128xf32, #tpu.memory_space<vmem>> -> memref<64x128xf32, #tpu.memory_space<vmem>>
      %dma_start3A_691 = arith.constant 0 : i32
      %dma_start3A_692 = tpu.memref_slice %arg8[%dma_start3A_687, %dma_start3A_691] : memref<13x64xi32, #tpu.memory_space<vmem>> -> memref<1x64xi32, #tpu.memory_space<vmem>>
      %dma_start3A_693 = tpu.memref_squeeze %dma_start3A_692 : memref<1x64xi32, #tpu.memory_space<vmem>> -> memref<64xi32, #tpu.memory_space<vmem>>
      %dma_start3A_694 = arith.constant 0 : i32
      %dma_start3A_695 = arith.constant 0 : i32
      %dma_start3A_696 = tpu.memref_slice %arg4[%dma_start3A_694, %dma_start3A_695] : memref<250000x128xf32, #tpu.memory_space<hbm>> -> memref<250000x128xf32, #tpu.memory_space<hbm>>
      tpu.enqueue_indirect_dma source(%dma_start3A_696 : memref<250000x128xf32, #tpu.memory_space<hbm>>) target(%dma_start3A_690 : memref<64x128xf32, #tpu.memory_space<vmem>>) offsets(%dma_start3A_693 : memref<64xi32, #tpu.memory_space<vmem>>) semaphore(%arg13 : memref<!tpu.dma_semaphore, #tpu.memory_space<semaphore_mem>>)
      %dma_start3A_697 = arith.constant 12 : i32
      %dma_start3A_698 = arith.constant 768 : i32
      %dma_start3A_699 = arith.constant 0 : i32
      %dma_start3A_700 = tpu.memref_slice %arg9[%dma_start3A_698, %dma_start3A_699] : memref<832x128xf32, #tpu.memory_space<vmem>> -> memref<64x128xf32, #tpu.memory_space<vmem>>
      %dma_start3A_701 = arith.constant 0 : i32
      %dma_start3A_702 = tpu.memref_slice %arg8[%dma_start3A_697, %dma_start3A_701] : memref<13x64xi32, #tpu.memory_space<vmem>> -> memref<1x64xi32, #tpu.memory_space<vmem>>
      %dma_start3A_703 = tpu.memref_squeeze %dma_start3A_702 : memref<1x64xi32, #tpu.memory_space<vmem>> -> memref<64xi32, #tpu.memory_space<vmem>>
      %dma_start3A_704 = arith.constant 0 : i32
      %dma_start3A_705 = arith.constant 0 : i32
      %dma_start3A_706 = tpu.memref_slice %arg4[%dma_start3A_704, %dma_start3A_705] : memref<250000x128xf32, #tpu.memory_space<hbm>> -> memref<250000x128xf32, #tpu.memory_space<hbm>>
      tpu.enqueue_indirect_dma source(%dma_start3A_706 : memref<250000x128xf32, #tpu.memory_space<hbm>>) target(%dma_start3A_700 : memref<64x128xf32, #tpu.memory_space<vmem>>) offsets(%dma_start3A_703 : memref<64xi32, #tpu.memory_space<vmem>>) semaphore(%arg13 : memref<!tpu.dma_semaphore, #tpu.memory_space<semaphore_mem>>)
      "tpu.region"() ({
        %run_scoped3A = tpu.sem_alloc : memref<!tpu.dma_semaphore, #tpu.memory_space<semaphore_mem>>
        %dma_start3A_844 = arith.constant 0 : i32
        %dma_start3A_845 = tpu.memref_slice %arg3[%add3A, %scan3A_8, %dma_start3A_844] : memref<32x16x416xf32, #tpu.memory_space<hbm>> -> memref<1x1x416xf32, #tpu.memory_space<hbm>>
        %dma_start3A_846 = tpu.memref_squeeze %dma_start3A_845 : memref<1x1x416xf32, #tpu.memory_space<hbm>> -> memref<416xf32, #tpu.memory_space<hbm>>
        %dma_start3A_847 = arith.constant 0 : i32
        %dma_start3A_848 = tpu.memref_slice %arg3[%add3A, %scan3A_8, %dma_start3A_847] : memref<32x16x416xf32, #tpu.memory_space<hbm>> -> memref<1x1x416xf32, #tpu.memory_space<hbm>>
        %dma_start3A_849 = tpu.memref_squeeze %dma_start3A_848 : memref<1x1x416xf32, #tpu.memory_space<hbm>> -> memref<416xf32, #tpu.memory_space<hbm>>
        tpu.enqueue_dma source(%dma_start3A_849 : memref<416xf32, #tpu.memory_space<hbm>>) target(%arg10 : memref<416xf32, #tpu.memory_space<vmem>>) target_semaphore(%run_scoped3A : memref<!tpu.dma_semaphore, #tpu.memory_space<semaphore_mem>>)
        %dma_wait3A_850 = arith.constant 0 : i32
        %dma_wait3A_851 = tpu.memref_slice %arg3[%add3A, %scan3A_8, %dma_wait3A_850] : memref<32x16x416xf32, #tpu.memory_space<hbm>> -> memref<1x1x416xf32, #tpu.memory_space<hbm>>
        %dma_wait3A_852 = tpu.memref_squeeze %dma_wait3A_851 : memref<1x1x416xf32, #tpu.memory_space<hbm>> -> memref<416xf32, #tpu.memory_space<hbm>>
        %dma_wait3A_853 = arith.constant 0 : i32
        %dma_wait3A_854 = tpu.memref_slice %arg3[%add3A, %scan3A_8, %dma_wait3A_853] : memref<32x16x416xf32, #tpu.memory_space<hbm>> -> memref<1x1x416xf32, #tpu.memory_space<hbm>>
        %dma_wait3A_855 = tpu.memref_squeeze %dma_wait3A_854 : memref<1x1x416xf32, #tpu.memory_space<hbm>> -> memref<416xf32, #tpu.memory_space<hbm>>
        tpu.wait_dma2 semaphore(%run_scoped3A : memref<!tpu.dma_semaphore, #tpu.memory_space<semaphore_mem>>) src(%dma_wait3A_855 : memref<416xf32, #tpu.memory_space<hbm>>) dst(%arg10 : memref<416xf32, #tpu.memory_space<vmem>>)
        tpu.yield
      }) : () -> ()
      %dma_wait3A = arith.constant 0 : i32
      %dma_wait3A_707 = arith.constant 0 : i32
      %dma_wait3A_708 = arith.constant 0 : i32
      %dma_wait3A_709 = tpu.memref_slice %arg9[%dma_wait3A_707, %dma_wait3A_708] : memref<832x128xf32, #tpu.memory_space<vmem>> -> memref<64x128xf32, #tpu.memory_space<vmem>>
      %dma_wait3A_710 = arith.constant 0 : i32
      %dma_wait3A_711 = tpu.memref_slice %arg8[%dma_wait3A, %dma_wait3A_710] : memref<13x64xi32, #tpu.memory_space<vmem>> -> memref<1x64xi32, #tpu.memory_space<vmem>>
      %dma_wait3A_712 = tpu.memref_squeeze %dma_wait3A_711 : memref<1x64xi32, #tpu.memory_space<vmem>> -> memref<64xi32, #tpu.memory_space<vmem>>
      %dma_wait3A_713 = arith.constant 0 : i32
      %dma_wait3A_714 = arith.constant 0 : i32
      %dma_wait3A_715 = tpu.memref_slice %arg4[%dma_wait3A_713, %dma_wait3A_714] : memref<250000x128xf32, #tpu.memory_space<hbm>> -> memref<250000x128xf32, #tpu.memory_space<hbm>>
      tpu.wait_indirect_dma semaphore(%arg13 : memref<!tpu.dma_semaphore, #tpu.memory_space<semaphore_mem>>) src(%dma_wait3A_715 : memref<250000x128xf32, #tpu.memory_space<hbm>>) dst(%dma_wait3A_709 : memref<64x128xf32, #tpu.memory_space<vmem>>)
      %dma_wait3A_716 = arith.constant 1 : i32
      %dma_wait3A_717 = arith.constant 64 : i32
      %dma_wait3A_718 = arith.constant 0 : i32
      %dma_wait3A_719 = tpu.memref_slice %arg9[%dma_wait3A_717, %dma_wait3A_718] : memref<832x128xf32, #tpu.memory_space<vmem>> -> memref<64x128xf32, #tpu.memory_space<vmem>>
      %dma_wait3A_720 = arith.constant 0 : i32
      %dma_wait3A_721 = tpu.memref_slice %arg8[%dma_wait3A_716, %dma_wait3A_720] : memref<13x64xi32, #tpu.memory_space<vmem>> -> memref<1x64xi32, #tpu.memory_space<vmem>>
      %dma_wait3A_722 = tpu.memref_squeeze %dma_wait3A_721 : memref<1x64xi32, #tpu.memory_space<vmem>> -> memref<64xi32, #tpu.memory_space<vmem>>
      %dma_wait3A_723 = arith.constant 0 : i32
      %dma_wait3A_724 = arith.constant 0 : i32
      %dma_wait3A_725 = tpu.memref_slice %arg4[%dma_wait3A_723, %dma_wait3A_724] : memref<250000x128xf32, #tpu.memory_space<hbm>> -> memref<250000x128xf32, #tpu.memory_space<hbm>>
      tpu.wait_indirect_dma semaphore(%arg13 : memref<!tpu.dma_semaphore, #tpu.memory_space<semaphore_mem>>) src(%dma_wait3A_725 : memref<250000x128xf32, #tpu.memory_space<hbm>>) dst(%dma_wait3A_719 : memref<64x128xf32, #tpu.memory_space<vmem>>)
      %dma_wait3A_726 = arith.constant 2 : i32
      %dma_wait3A_727 = arith.constant 128 : i32
      %dma_wait3A_728 = arith.constant 0 : i32
      %dma_wait3A_729 = tpu.memref_slice %arg9[%dma_wait3A_727, %dma_wait3A_728] : memref<832x128xf32, #tpu.memory_space<vmem>> -> memref<64x128xf32, #tpu.memory_space<vmem>>
      %dma_wait3A_730 = arith.constant 0 : i32
      %dma_wait3A_731 = tpu.memref_slice %arg8[%dma_wait3A_726, %dma_wait3A_730] : memref<13x64xi32, #tpu.memory_space<vmem>> -> memref<1x64xi32, #tpu.memory_space<vmem>>
      %dma_wait3A_732 = tpu.memref_squeeze %dma_wait3A_731 : memref<1x64xi32, #tpu.memory_space<vmem>> -> memref<64xi32, #tpu.memory_space<vmem>>
      %dma_wait3A_733 = arith.constant 0 : i32
      %dma_wait3A_734 = arith.constant 0 : i32
      %dma_wait3A_735 = tpu.memref_slice %arg4[%dma_wait3A_733, %dma_wait3A_734] : memref<250000x128xf32, #tpu.memory_space<hbm>> -> memref<250000x128xf32, #tpu.memory_space<hbm>>
      tpu.wait_indirect_dma semaphore(%arg13 : memref<!tpu.dma_semaphore, #tpu.memory_space<semaphore_mem>>) src(%dma_wait3A_735 : memref<250000x128xf32, #tpu.memory_space<hbm>>) dst(%dma_wait3A_729 : memref<64x128xf32, #tpu.memory_space<vmem>>)
      %dma_wait3A_736 = arith.constant 3 : i32
      %dma_wait3A_737 = arith.constant 192 : i32
      %dma_wait3A_738 = arith.constant 0 : i32
      %dma_wait3A_739 = tpu.memref_slice %arg9[%dma_wait3A_737, %dma_wait3A_738] : memref<832x128xf32, #tpu.memory_space<vmem>> -> memref<64x128xf32, #tpu.memory_space<vmem>>
      %dma_wait3A_740 = arith.constant 0 : i32
      %dma_wait3A_741 = tpu.memref_slice %arg8[%dma_wait3A_736, %dma_wait3A_740] : memref<13x64xi32, #tpu.memory_space<vmem>> -> memref<1x64xi32, #tpu.memory_space<vmem>>
      %dma_wait3A_742 = tpu.memref_squeeze %dma_wait3A_741 : memref<1x64xi32, #tpu.memory_space<vmem>> -> memref<64xi32, #tpu.memory_space<vmem>>
      %dma_wait3A_743 = arith.constant 0 : i32
      %dma_wait3A_744 = arith.constant 0 : i32
      %dma_wait3A_745 = tpu.memref_slice %arg4[%dma_wait3A_743, %dma_wait3A_744] : memref<250000x128xf32, #tpu.memory_space<hbm>> -> memref<250000x128xf32, #tpu.memory_space<hbm>>
      tpu.wait_indirect_dma semaphore(%arg13 : memref<!tpu.dma_semaphore, #tpu.memory_space<semaphore_mem>>) src(%dma_wait3A_745 : memref<250000x128xf32, #tpu.memory_space<hbm>>) dst(%dma_wait3A_739 : memref<64x128xf32, #tpu.memory_space<vmem>>)
      %dma_wait3A_746 = arith.constant 4 : i32
      %dma_wait3A_747 = arith.constant 256 : i32
      %dma_wait3A_748 = arith.constant 0 : i32
      %dma_wait3A_749 = tpu.memref_slice %arg9[%dma_wait3A_747, %dma_wait3A_748] : memref<832x128xf32, #tpu.memory_space<vmem>> -> memref<64x128xf32, #tpu.memory_space<vmem>>
      %dma_wait3A_750 = arith.constant 0 : i32
      %dma_wait3A_751 = tpu.memref_slice %arg8[%dma_wait3A_746, %dma_wait3A_750] : memref<13x64xi32, #tpu.memory_space<vmem>> -> memref<1x64xi32, #tpu.memory_space<vmem>>
      %dma_wait3A_752 = tpu.memref_squeeze %dma_wait3A_751 : memref<1x64xi32, #tpu.memory_space<vmem>> -> memref<64xi32, #tpu.memory_space<vmem>>
      %dma_wait3A_753 = arith.constant 0 : i32
      %dma_wait3A_754 = arith.constant 0 : i32
      %dma_wait3A_755 = tpu.memref_slice %arg4[%dma_wait3A_753, %dma_wait3A_754] : memref<250000x128xf32, #tpu.memory_space<hbm>> -> memref<250000x128xf32, #tpu.memory_space<hbm>>
      tpu.wait_indirect_dma semaphore(%arg13 : memref<!tpu.dma_semaphore, #tpu.memory_space<semaphore_mem>>) src(%dma_wait3A_755 : memref<250000x128xf32, #tpu.memory_space<hbm>>) dst(%dma_wait3A_749 : memref<64x128xf32, #tpu.memory_space<vmem>>)
      %dma_wait3A_756 = arith.constant 5 : i32
      %dma_wait3A_757 = arith.constant 320 : i32
      %dma_wait3A_758 = arith.constant 0 : i32
      %dma_wait3A_759 = tpu.memref_slice %arg9[%dma_wait3A_757, %dma_wait3A_758] : memref<832x128xf32, #tpu.memory_space<vmem>> -> memref<64x128xf32, #tpu.memory_space<vmem>>
      %dma_wait3A_760 = arith.constant 0 : i32
      %dma_wait3A_761 = tpu.memref_slice %arg8[%dma_wait3A_756, %dma_wait3A_760] : memref<13x64xi32, #tpu.memory_space<vmem>> -> memref<1x64xi32, #tpu.memory_space<vmem>>
      %dma_wait3A_762 = tpu.memref_squeeze %dma_wait3A_761 : memref<1x64xi32, #tpu.memory_space<vmem>> -> memref<64xi32, #tpu.memory_space<vmem>>
      %dma_wait3A_763 = arith.constant 0 : i32
      %dma_wait3A_764 = arith.constant 0 : i32
      %dma_wait3A_765 = tpu.memref_slice %arg4[%dma_wait3A_763, %dma_wait3A_764] : memref<250000x128xf32, #tpu.memory_space<hbm>> -> memref<250000x128xf32, #tpu.memory_space<hbm>>
      tpu.wait_indirect_dma semaphore(%arg13 : memref<!tpu.dma_semaphore, #tpu.memory_space<semaphore_mem>>) src(%dma_wait3A_765 : memref<250000x128xf32, #tpu.memory_space<hbm>>) dst(%dma_wait3A_759 : memref<64x128xf32, #tpu.memory_space<vmem>>)
      %dma_wait3A_766 = arith.constant 6 : i32
      %dma_wait3A_767 = arith.constant 384 : i32
      %dma_wait3A_768 = arith.constant 0 : i32
      %dma_wait3A_769 = tpu.memref_slice %arg9[%dma_wait3A_767, %dma_wait3A_768] : memref<832x128xf32, #tpu.memory_space<vmem>> -> memref<64x128xf32, #tpu.memory_space<vmem>>
      %dma_wait3A_770 = arith.constant 0 : i32
      %dma_wait3A_771 = tpu.memref_slice %arg8[%dma_wait3A_766, %dma_wait3A_770] : memref<13x64xi32, #tpu.memory_space<vmem>> -> memref<1x64xi32, #tpu.memory_space<vmem>>
      %dma_wait3A_772 = tpu.memref_squeeze %dma_wait3A_771 : memref<1x64xi32, #tpu.memory_space<vmem>> -> memref<64xi32, #tpu.memory_space<vmem>>
      %dma_wait3A_773 = arith.constant 0 : i32
      %dma_wait3A_774 = arith.constant 0 : i32
      %dma_wait3A_775 = tpu.memref_slice %arg4[%dma_wait3A_773, %dma_wait3A_774] : memref<250000x128xf32, #tpu.memory_space<hbm>> -> memref<250000x128xf32, #tpu.memory_space<hbm>>
      tpu.wait_indirect_dma semaphore(%arg13 : memref<!tpu.dma_semaphore, #tpu.memory_space<semaphore_mem>>) src(%dma_wait3A_775 : memref<250000x128xf32, #tpu.memory_space<hbm>>) dst(%dma_wait3A_769 : memref<64x128xf32, #tpu.memory_space<vmem>>)
      %dma_wait3A_776 = arith.constant 7 : i32
      %dma_wait3A_777 = arith.constant 448 : i32
      %dma_wait3A_778 = arith.constant 0 : i32
      %dma_wait3A_779 = tpu.memref_slice %arg9[%dma_wait3A_777, %dma_wait3A_778] : memref<832x128xf32, #tpu.memory_space<vmem>> -> memref<64x128xf32, #tpu.memory_space<vmem>>
      %dma_wait3A_780 = arith.constant 0 : i32
      %dma_wait3A_781 = tpu.memref_slice %arg8[%dma_wait3A_776, %dma_wait3A_780] : memref<13x64xi32, #tpu.memory_space<vmem>> -> memref<1x64xi32, #tpu.memory_space<vmem>>
      %dma_wait3A_782 = tpu.memref_squeeze %dma_wait3A_781 : memref<1x64xi32, #tpu.memory_space<vmem>> -> memref<64xi32, #tpu.memory_space<vmem>>
      %dma_wait3A_783 = arith.constant 0 : i32
      %dma_wait3A_784 = arith.constant 0 : i32
      %dma_wait3A_785 = tpu.memref_slice %arg4[%dma_wait3A_783, %dma_wait3A_784] : memref<250000x128xf32, #tpu.memory_space<hbm>> -> memref<250000x128xf32, #tpu.memory_space<hbm>>
      tpu.wait_indirect_dma semaphore(%arg13 : memref<!tpu.dma_semaphore, #tpu.memory_space<semaphore_mem>>) src(%dma_wait3A_785 : memref<250000x128xf32, #tpu.memory_space<hbm>>) dst(%dma_wait3A_779 : memref<64x128xf32, #tpu.memory_space<vmem>>)
      %dma_wait3A_786 = arith.constant 8 : i32
      %dma_wait3A_787 = arith.constant 512 : i32
      %dma_wait3A_788 = arith.constant 0 : i32
      %dma_wait3A_789 = tpu.memref_slice %arg9[%dma_wait3A_787, %dma_wait3A_788] : memref<832x128xf32, #tpu.memory_space<vmem>> -> memref<64x128xf32, #tpu.memory_space<vmem>>
      %dma_wait3A_790 = arith.constant 0 : i32
      %dma_wait3A_791 = tpu.memref_slice %arg8[%dma_wait3A_786, %dma_wait3A_790] : memref<13x64xi32, #tpu.memory_space<vmem>> -> memref<1x64xi32, #tpu.memory_space<vmem>>
      %dma_wait3A_792 = tpu.memref_squeeze %dma_wait3A_791 : memref<1x64xi32, #tpu.memory_space<vmem>> -> memref<64xi32, #tpu.memory_space<vmem>>
      %dma_wait3A_793 = arith.constant 0 : i32
      %dma_wait3A_794 = arith.constant 0 : i32
      %dma_wait3A_795 = tpu.memref_slice %arg4[%dma_wait3A_793, %dma_wait3A_794] : memref<250000x128xf32, #tpu.memory_space<hbm>> -> memref<250000x128xf32, #tpu.memory_space<hbm>>
      tpu.wait_indirect_dma semaphore(%arg13 : memref<!tpu.dma_semaphore, #tpu.memory_space<semaphore_mem>>) src(%dma_wait3A_795 : memref<250000x128xf32, #tpu.memory_space<hbm>>) dst(%dma_wait3A_789 : memref<64x128xf32, #tpu.memory_space<vmem>>)
      %dma_wait3A_796 = arith.constant 9 : i32
      %dma_wait3A_797 = arith.constant 576 : i32
      %dma_wait3A_798 = arith.constant 0 : i32
      %dma_wait3A_799 = tpu.memref_slice %arg9[%dma_wait3A_797, %dma_wait3A_798] : memref<832x128xf32, #tpu.memory_space<vmem>> -> memref<64x128xf32, #tpu.memory_space<vmem>>
      %dma_wait3A_800 = arith.constant 0 : i32
      %dma_wait3A_801 = tpu.memref_slice %arg8[%dma_wait3A_796, %dma_wait3A_800] : memref<13x64xi32, #tpu.memory_space<vmem>> -> memref<1x64xi32, #tpu.memory_space<vmem>>
      %dma_wait3A_802 = tpu.memref_squeeze %dma_wait3A_801 : memref<1x64xi32, #tpu.memory_space<vmem>> -> memref<64xi32, #tpu.memory_space<vmem>>
      %dma_wait3A_803 = arith.constant 0 : i32
      %dma_wait3A_804 = arith.constant 0 : i32
      %dma_wait3A_805 = tpu.memref_slice %arg4[%dma_wait3A_803, %dma_wait3A_804] : memref<250000x128xf32, #tpu.memory_space<hbm>> -> memref<250000x128xf32, #tpu.memory_space<hbm>>
      tpu.wait_indirect_dma semaphore(%arg13 : memref<!tpu.dma_semaphore, #tpu.memory_space<semaphore_mem>>) src(%dma_wait3A_805 : memref<250000x128xf32, #tpu.memory_space<hbm>>) dst(%dma_wait3A_799 : memref<64x128xf32, #tpu.memory_space<vmem>>)
      %dma_wait3A_806 = arith.constant 10 : i32
      %dma_wait3A_807 = arith.constant 640 : i32
      %dma_wait3A_808 = arith.constant 0 : i32
      %dma_wait3A_809 = tpu.memref_slice %arg9[%dma_wait3A_807, %dma_wait3A_808] : memref<832x128xf32, #tpu.memory_space<vmem>> -> memref<64x128xf32, #tpu.memory_space<vmem>>
      %dma_wait3A_810 = arith.constant 0 : i32
      %dma_wait3A_811 = tpu.memref_slice %arg8[%dma_wait3A_806, %dma_wait3A_810] : memref<13x64xi32, #tpu.memory_space<vmem>> -> memref<1x64xi32, #tpu.memory_space<vmem>>
      %dma_wait3A_812 = tpu.memref_squeeze %dma_wait3A_811 : memref<1x64xi32, #tpu.memory_space<vmem>> -> memref<64xi32, #tpu.memory_space<vmem>>
      %dma_wait3A_813 = arith.constant 0 : i32
      %dma_wait3A_814 = arith.constant 0 : i32
      %dma_wait3A_815 = tpu.memref_slice %arg4[%dma_wait3A_813, %dma_wait3A_814] : memref<250000x128xf32, #tpu.memory_space<hbm>> -> memref<250000x128xf32, #tpu.memory_space<hbm>>
      tpu.wait_indirect_dma semaphore(%arg13 : memref<!tpu.dma_semaphore, #tpu.memory_space<semaphore_mem>>) src(%dma_wait3A_815 : memref<250000x128xf32, #tpu.memory_space<hbm>>) dst(%dma_wait3A_809 : memref<64x128xf32, #tpu.memory_space<vmem>>)
      %dma_wait3A_816 = arith.constant 11 : i32
      %dma_wait3A_817 = arith.constant 704 : i32
      %dma_wait3A_818 = arith.constant 0 : i32
      %dma_wait3A_819 = tpu.memref_slice %arg9[%dma_wait3A_817, %dma_wait3A_818] : memref<832x128xf32, #tpu.memory_space<vmem>> -> memref<64x128xf32, #tpu.memory_space<vmem>>
      %dma_wait3A_820 = arith.constant 0 : i32
      %dma_wait3A_821 = tpu.memref_slice %arg8[%dma_wait3A_816, %dma_wait3A_820] : memref<13x64xi32, #tpu.memory_space<vmem>> -> memref<1x64xi32, #tpu.memory_space<vmem>>
      %dma_wait3A_822 = tpu.memref_squeeze %dma_wait3A_821 : memref<1x64xi32, #tpu.memory_space<vmem>> -> memref<64xi32, #tpu.memory_space<vmem>>
      %dma_wait3A_823 = arith.constant 0 : i32
      %dma_wait3A_824 = arith.constant 0 : i32
      %dma_wait3A_825 = tpu.memref_slice %arg4[%dma_wait3A_823, %dma_wait3A_824] : memref<250000x128xf32, #tpu.memory_space<hbm>> -> memref<250000x128xf32, #tpu.memory_space<hbm>>
      tpu.wait_indirect_dma semaphore(%arg13 : memref<!tpu.dma_semaphore, #tpu.memory_space<semaphore_mem>>) src(%dma_wait3A_825 : memref<250000x128xf32, #tpu.memory_space<hbm>>) dst(%dma_wait3A_819 : memref<64x128xf32, #tpu.memory_space<vmem>>)
      %dma_wait3A_826 = arith.constant 12 : i32
      %dma_wait3A_827 = arith.constant 768 : i32
      %dma_wait3A_828 = arith.constant 0 : i32
      %dma_wait3A_829 = tpu.memref_slice %arg9[%dma_wait3A_827, %dma_wait3A_828] : memref<832x128xf32, #tpu.memory_space<vmem>> -> memref<64x128xf32, #tpu.memory_space<vmem>>
      %dma_wait3A_830 = arith.constant 0 : i32
      %dma_wait3A_831 = tpu.memref_slice %arg8[%dma_wait3A_826, %dma_wait3A_830] : memref<13x64xi32, #tpu.memory_space<vmem>> -> memref<1x64xi32, #tpu.memory_space<vmem>>
      %dma_wait3A_832 = tpu.memref_squeeze %dma_wait3A_831 : memref<1x64xi32, #tpu.memory_space<vmem>> -> memref<64xi32, #tpu.memory_space<vmem>>
      %dma_wait3A_833 = arith.constant 0 : i32
      %dma_wait3A_834 = arith.constant 0 : i32
      %dma_wait3A_835 = tpu.memref_slice %arg4[%dma_wait3A_833, %dma_wait3A_834] : memref<250000x128xf32, #tpu.memory_space<hbm>> -> memref<250000x128xf32, #tpu.memory_space<hbm>>
      tpu.wait_indirect_dma semaphore(%arg13 : memref<!tpu.dma_semaphore, #tpu.memory_space<semaphore_mem>>) src(%dma_wait3A_835 : memref<250000x128xf32, #tpu.memory_space<hbm>>) dst(%dma_wait3A_829 : memref<64x128xf32, #tpu.memory_space<vmem>>)
      %get3A_836 = arith.constant 832 : index
      %get3A_837 = tpu.vector_load %arg11[%get3A_836] {strides = array<i32>} : memref<848xf32, #tpu.memory_space<vmem>>, vector<16xf32>,
      %scan3A_838 = arith.constant 0 : i32
      %scan3A_839 = arith.constant 0 : i32
      %scan3A_840 = arith.constant 2 : i32
      %scan3A_841 = arith.addi %scan3A_839, %scan3A_840 : i32
      %scan3A_842 = arith.constant 1 : i32
      scf.for %scan3A_844 = %scan3A_839 to %scan3A_841 step %scan3A_842  : i32 {
        %mul3A_845 = arith.constant 16 : i32
        %mul3A_846 = arith.muli %scan3A_844, %mul3A_845 : i32
        %add3A_847 = vector.broadcast %mul3A_846 : i32 to vector<16xi32>
        %add3A_848 = arith.addi %add3A_847, %iota3A : vector<16xi32>
        %mul3A_849 = arith.constant 26 : i32
        %mul3A_850 = vector.broadcast %mul3A_849 : i32 to vector<16xi32>
        %mul3A_851 = arith.muli %add3A_848, %mul3A_850 : vector<16xi32>
        %slice3A = vector.extract_strided_slice %get3A_837 {offsets = [13], sizes = [1], strides = [1]} : vector<16xf32> to vector<1xf32>
        %squeeze3A = vector.extract %slice3A[0] : f32 from vector<1xf32>
        %broadcast_in_dim3A = vector.broadcast %squeeze3A : f32 to vector<16xf32>
        %scan3A_852 = arith.constant 0 : i32
        %scan3A_853 = arith.constant 26 : i32
        %scan3A_854 = arith.addi %scan3A_852, %scan3A_853 : i32
        %scan3A_855 = arith.constant 1 : i32
        %scan3A_856 = scf.for %scan3A_991 = %scan3A_852 to %scan3A_854 step %scan3A_855 iter_args(%scan3A_992 = %broadcast_in_dim3A) -> (vector<16xf32>)  : i32 {
          %add3A_993 = vector.broadcast %scan3A_991 : i32 to vector<16xi32>
          %add3A_994 = arith.addi %mul3A_851, %add3A_993 : vector<16xi32>
          %shift_right_arithmetic3A_995 = arith.constant 6 : i32
          %shift_right_arithmetic3A_996 = vector.broadcast %shift_right_arithmetic3A_995 : i32 to vector<16xi32>
          %shift_right_arithmetic3A_997 = arith.shrsi %add3A_994, %shift_right_arithmetic3A_996 : vector<16xi32>
          %and3A = arith.constant 63 : i32
          %and3A_998 = vector.broadcast %and3A : i32 to vector<16xi32>
          %and3A_999 = arith.andi %add3A_994, %and3A_998 : vector<16xi32>
          %gather3A_1000 = tpu.vector_load_idx %arg7[%shift_right_arithmetic3A_997, %and3A_999] : memref<13x64xi32, #tpu.memory_space<vmem>>[vector<16xi32>, vector<16xi32>], vector<16xi32>,
          %and3A_1001 = arith.constant 3 : i32
          %and3A_1002 = vector.broadcast %and3A_1001 : i32 to vector<16xi32>
          %and3A_1003 = arith.andi %gather3A_1000, %and3A_1002 : vector<16xi32>
          %mul3A_1004 = arith.constant 32 : i32
          %mul3A_1005 = vector.broadcast %mul3A_1004 : i32 to vector<16xi32>
          %mul3A_1006 = arith.muli %and3A_1003, %mul3A_1005 : vector<16xi32>
          %mul3A_1007 = arith.constant 32 : i32
          %mul3A_1008 = arith.muli %scan3A_991, %mul3A_1007 : i32
          %get3A_1009 = arith.index_cast %mul3A_1008 : i32 to index
          %get3A_1010 = tpu.vector_load %arg11[%get3A_1009] {strides = array<i32>} : memref<848xf32, #tpu.memory_space<vmem>>, vector<16xf32>,
          %mul3A_1011 = arith.constant 32 : i32
          %mul3A_1012 = arith.muli %scan3A_991, %mul3A_1011 : i32
          %add3A_1013 = arith.constant 16 : i32
          %add3A_1014 = arith.addi %mul3A_1012, %add3A_1013 : i32
          %get3A_1015 = arith.index_cast %add3A_1014 : i32 to index
          %get3A_1016 = tpu.vector_load %arg11[%get3A_1015] {strides = array<i32>} : memref<848xf32, #tpu.memory_space<vmem>>, vector<16xf32>,
          %add3A_1017 = arith.constant 0 : i32
          %add3A_1018 = vector.broadcast %add3A_1017 : i32 to vector<16xi32>
          %add3A_1019 = arith.addi %mul3A_1006, %add3A_1018 : vector<16xi32>
          %gather3A_1020 = tpu.vector_load_idx %arg9[%add3A_994, %add3A_1019] : memref<832x128xf32, #tpu.memory_space<vmem>>[vector<16xi32>, vector<16xi32>], vector<16xf32>,
          %slice3A_1021 = vector.extract_strided_slice %get3A_1010 {offsets = [0], sizes = [1], strides = [1]} : vector<16xf32> to vector<1xf32>
          %squeeze3A_1022 = vector.extract %slice3A_1021[0] : f32 from vector<1xf32>
          %mul3A_1023 = vector.broadcast %squeeze3A_1022 : f32 to vector<16xf32>
          %mul3A_1024 = arith.mulf %gather3A_1020, %mul3A_1023 : vector<16xf32>
          %add3A_1025 = arith.addf %scan3A_992, %mul3A_1024 : vector<16xf32>
          %add3A_1026 = arith.constant 1 : i32
          %add3A_1027 = vector.broadcast %add3A_1026 : i32 to vector<16xi32>
          %add3A_1028 = arith.addi %mul3A_1006, %add3A_1027 : vector<16xi32>
          %gather3A_1029 = tpu.vector_load_idx %arg9[%add3A_994, %add3A_1028] : memref<832x128xf32, #tpu.memory_space<vmem>>[vector<16xi32>, vector<16xi32>], vector<16xf32>,
          %slice3A_1030 = vector.extract_strided_slice %get3A_1010 {offsets = [1], sizes = [1], strides = [1]} : vector<16xf32> to vector<1xf32>
          %squeeze3A_1031 = vector.extract %slice3A_1030[0] : f32 from vector<1xf32>
          %mul3A_1032 = vector.broadcast %squeeze3A_1031 : f32 to vector<16xf32>
          %mul3A_1033 = arith.mulf %gather3A_1029, %mul3A_1032 : vector<16xf32>
          %add3A_1034 = arith.addf %add3A_1025, %mul3A_1033 : vector<16xf32>
          %add3A_1035 = arith.constant 2 : i32
          %add3A_1036 = vector.broadcast %add3A_1035 : i32 to vector<16xi32>
          %add3A_1037 = arith.addi %mul3A_1006, %add3A_1036 : vector<16xi32>
          %gather3A_1038 = tpu.vector_load_idx %arg9[%add3A_994, %add3A_1037] : memref<832x128xf32, #tpu.memory_space<vmem>>[vector<16xi32>, vector<16xi32>], vector<16xf32>,
          %slice3A_1039 = vector.extract_strided_slice %get3A_1010 {offsets = [2], sizes = [1], strides = [1]} : vector<16xf32> to vector<1xf32>
          %squeeze3A_1040 = vector.extract %slice3A_1039[0] : f32 from vector<1xf32>
          %mul3A_1041 = vector.broadcast %squeeze3A_1040 : f32 to vector<16xf32>
          %mul3A_1042 = arith.mulf %gather3A_1038, %mul3A_1041 : vector<16xf32>
          %add3A_1043 = arith.addf %add3A_1034, %mul3A_1042 : vector<16xf32>
          %add3A_1044 = arith.constant 3 : i32
          %add3A_1045 = vector.broadcast %add3A_1044 : i32 to vector<16xi32>
          %add3A_1046 = arith.addi %mul3A_1006, %add3A_1045 : vector<16xi32>
          %gather3A_1047 = tpu.vector_load_idx %arg9[%add3A_994, %add3A_1046] : memref<832x128xf32, #tpu.memory_space<vmem>>[vector<16xi32>, vector<16xi32>], vector<16xf32>,
          %slice3A_1048 = vector.extract_strided_slice %get3A_1010 {offsets = [3], sizes = [1], strides = [1]} : vector<16xf32> to vector<1xf32>
          %squeeze3A_1049 = vector.extract %slice3A_1048[0] : f32 from vector<1xf32>
          %mul3A_1050 = vector.broadcast %squeeze3A_1049 : f32 to vector<16xf32>
          %mul3A_1051 = arith.mulf %gather3A_1047, %mul3A_1050 : vector<16xf32>
          %add3A_1052 = arith.addf %add3A_1043, %mul3A_1051 : vector<16xf32>
          %add3A_1053 = arith.constant 4 : i32
          %add3A_1054 = vector.broadcast %add3A_1053 : i32 to vector<16xi32>
          %add3A_1055 = arith.addi %mul3A_1006, %add3A_1054 : vector<16xi32>
          %gather3A_1056 = tpu.vector_load_idx %arg9[%add3A_994, %add3A_1055] : memref<832x128xf32, #tpu.memory_space<vmem>>[vector<16xi32>, vector<16xi32>], vector<16xf32>,
          %slice3A_1057 = vector.extract_strided_slice %get3A_1010 {offsets = [4], sizes = [1], strides = [1]} : vector<16xf32> to vector<1xf32>
          %squeeze3A_1058 = vector.extract %slice3A_1057[0] : f32 from vector<1xf32>
          %mul3A_1059 = vector.broadcast %squeeze3A_1058 : f32 to vector<16xf32>
          %mul3A_1060 = arith.mulf %gather3A_1056, %mul3A_1059 : vector<16xf32>
          %add3A_1061 = arith.addf %add3A_1052, %mul3A_1060 : vector<16xf32>
          %add3A_1062 = arith.constant 5 : i32
          %add3A_1063 = vector.broadcast %add3A_1062 : i32 to vector<16xi32>
          %add3A_1064 = arith.addi %mul3A_1006, %add3A_1063 : vector<16xi32>
          %gather3A_1065 = tpu.vector_load_idx %arg9[%add3A_994, %add3A_1064] : memref<832x128xf32, #tpu.memory_space<vmem>>[vector<16xi32>, vector<16xi32>], vector<16xf32>,
          %slice3A_1066 = vector.extract_strided_slice %get3A_1010 {offsets = [5], sizes = [1], strides = [1]} : vector<16xf32> to vector<1xf32>
          %squeeze3A_1067 = vector.extract %slice3A_1066[0] : f32 from vector<1xf32>
          %mul3A_1068 = vector.broadcast %squeeze3A_1067 : f32 to vector<16xf32>
          %mul3A_1069 = arith.mulf %gather3A_1065, %mul3A_1068 : vector<16xf32>
          %add3A_1070 = arith.addf %add3A_1061, %mul3A_1069 : vector<16xf32>
          %add3A_1071 = arith.constant 6 : i32
          %add3A_1072 = vector.broadcast %add3A_1071 : i32 to vector<16xi32>
          %add3A_1073 = arith.addi %mul3A_1006, %add3A_1072 : vector<16xi32>
          %gather3A_1074 = tpu.vector_load_idx %arg9[%add3A_994, %add3A_1073] : memref<832x128xf32, #tpu.memory_space<vmem>>[vector<16xi32>, vector<16xi32>], vector<16xf32>,
          %slice3A_1075 = vector.extract_strided_slice %get3A_1010 {offsets = [6], sizes = [1], strides = [1]} : vector<16xf32> to vector<1xf32>
          %squeeze3A_1076 = vector.extract %slice3A_1075[0] : f32 from vector<1xf32>
          %mul3A_1077 = vector.broadcast %squeeze3A_1076 : f32 to vector<16xf32>
          %mul3A_1078 = arith.mulf %gather3A_1074, %mul3A_1077 : vector<16xf32>
          %add3A_1079 = arith.addf %add3A_1070, %mul3A_1078 : vector<16xf32>
          %add3A_1080 = arith.constant 7 : i32
          %add3A_1081 = vector.broadcast %add3A_1080 : i32 to vector<16xi32>
          %add3A_1082 = arith.addi %mul3A_1006, %add3A_1081 : vector<16xi32>
          %gather3A_1083 = tpu.vector_load_idx %arg9[%add3A_994, %add3A_1082] : memref<832x128xf32, #tpu.memory_space<vmem>>[vector<16xi32>, vector<16xi32>], vector<16xf32>,
          %slice3A_1084 = vector.extract_strided_slice %get3A_1010 {offsets = [7], sizes = [1], strides = [1]} : vector<16xf32> to vector<1xf32>
          %squeeze3A_1085 = vector.extract %slice3A_1084[0] : f32 from vector<1xf32>
          %mul3A_1086 = vector.broadcast %squeeze3A_1085 : f32 to vector<16xf32>
          %mul3A_1087 = arith.mulf %gather3A_1083, %mul3A_1086 : vector<16xf32>
          %add3A_1088 = arith.addf %add3A_1079, %mul3A_1087 : vector<16xf32>
          %add3A_1089 = arith.constant 8 : i32
          %add3A_1090 = vector.broadcast %add3A_1089 : i32 to vector<16xi32>
          %add3A_1091 = arith.addi %mul3A_1006, %add3A_1090 : vector<16xi32>
          %gather3A_1092 = tpu.vector_load_idx %arg9[%add3A_994, %add3A_1091] : memref<832x128xf32, #tpu.memory_space<vmem>>[vector<16xi32>, vector<16xi32>], vector<16xf32>,
          %slice3A_1093 = vector.extract_strided_slice %get3A_1010 {offsets = [8], sizes = [1], strides = [1]} : vector<16xf32> to vector<1xf32>
          %squeeze3A_1094 = vector.extract %slice3A_1093[0] : f32 from vector<1xf32>
          %mul3A_1095 = vector.broadcast %squeeze3A_1094 : f32 to vector<16xf32>
          %mul3A_1096 = arith.mulf %gather3A_1092, %mul3A_1095 : vector<16xf32>
          %add3A_1097 = arith.addf %add3A_1088, %mul3A_1096 : vector<16xf32>
          %add3A_1098 = arith.constant 9 : i32
          %add3A_1099 = vector.broadcast %add3A_1098 : i32 to vector<16xi32>
          %add3A_1100 = arith.addi %mul3A_1006, %add3A_1099 : vector<16xi32>
          %gather3A_1101 = tpu.vector_load_idx %arg9[%add3A_994, %add3A_1100] : memref<832x128xf32, #tpu.memory_space<vmem>>[vector<16xi32>, vector<16xi32>], vector<16xf32>,
          %slice3A_1102 = vector.extract_strided_slice %get3A_1010 {offsets = [9], sizes = [1], strides = [1]} : vector<16xf32> to vector<1xf32>
          %squeeze3A_1103 = vector.extract %slice3A_1102[0] : f32 from vector<1xf32>
          %mul3A_1104 = vector.broadcast %squeeze3A_1103 : f32 to vector<16xf32>
          %mul3A_1105 = arith.mulf %gather3A_1101, %mul3A_1104 : vector<16xf32>
          %add3A_1106 = arith.addf %add3A_1097, %mul3A_1105 : vector<16xf32>
          %add3A_1107 = arith.constant 10 : i32
          %add3A_1108 = vector.broadcast %add3A_1107 : i32 to vector<16xi32>
          %add3A_1109 = arith.addi %mul3A_1006, %add3A_1108 : vector<16xi32>
          %gather3A_1110 = tpu.vector_load_idx %arg9[%add3A_994, %add3A_1109] : memref<832x128xf32, #tpu.memory_space<vmem>>[vector<16xi32>, vector<16xi32>], vector<16xf32>,
          %slice3A_1111 = vector.extract_strided_slice %get3A_1010 {offsets = [10], sizes = [1], strides = [1]} : vector<16xf32> to vector<1xf32>
          %squeeze3A_1112 = vector.extract %slice3A_1111[0] : f32 from vector<1xf32>
          %mul3A_1113 = vector.broadcast %squeeze3A_1112 : f32 to vector<16xf32>
          %mul3A_1114 = arith.mulf %gather3A_1110, %mul3A_1113 : vector<16xf32>
          %add3A_1115 = arith.addf %add3A_1106, %mul3A_1114 : vector<16xf32>
          %add3A_1116 = arith.constant 11 : i32
          %add3A_1117 = vector.broadcast %add3A_1116 : i32 to vector<16xi32>
          %add3A_1118 = arith.addi %mul3A_1006, %add3A_1117 : vector<16xi32>
          %gather3A_1119 = tpu.vector_load_idx %arg9[%add3A_994, %add3A_1118] : memref<832x128xf32, #tpu.memory_space<vmem>>[vector<16xi32>, vector<16xi32>], vector<16xf32>,
          %slice3A_1120 = vector.extract_strided_slice %get3A_1010 {offsets = [11], sizes = [1], strides = [1]} : vector<16xf32> to vector<1xf32>
          %squeeze3A_1121 = vector.extract %slice3A_1120[0] : f32 from vector<1xf32>
          %mul3A_1122 = vector.broadcast %squeeze3A_1121 : f32 to vector<16xf32>
          %mul3A_1123 = arith.mulf %gather3A_1119, %mul3A_1122 : vector<16xf32>
          %add3A_1124 = arith.addf %add3A_1115, %mul3A_1123 : vector<16xf32>
          %add3A_1125 = arith.constant 12 : i32
          %add3A_1126 = vector.broadcast %add3A_1125 : i32 to vector<16xi32>
          %add3A_1127 = arith.addi %mul3A_1006, %add3A_1126 : vector<16xi32>
          %gather3A_1128 = tpu.vector_load_idx %arg9[%add3A_994, %add3A_1127] : memref<832x128xf32, #tpu.memory_space<vmem>>[vector<16xi32>, vector<16xi32>], vector<16xf32>,
          %slice3A_1129 = vector.extract_strided_slice %get3A_1010 {offsets = [12], sizes = [1], strides = [1]} : vector<16xf32> to vector<1xf32>
          %squeeze3A_1130 = vector.extract %slice3A_1129[0] : f32 from vector<1xf32>
          %mul3A_1131 = vector.broadcast %squeeze3A_1130 : f32 to vector<16xf32>
          %mul3A_1132 = arith.mulf %gather3A_1128, %mul3A_1131 : vector<16xf32>
          %add3A_1133 = arith.addf %add3A_1124, %mul3A_1132 : vector<16xf32>
          %add3A_1134 = arith.constant 13 : i32
          %add3A_1135 = vector.broadcast %add3A_1134 : i32 to vector<16xi32>
          %add3A_1136 = arith.addi %mul3A_1006, %add3A_1135 : vector<16xi32>
          %gather3A_1137 = tpu.vector_load_idx %arg9[%add3A_994, %add3A_1136] : memref<832x128xf32, #tpu.memory_space<vmem>>[vector<16xi32>, vector<16xi32>], vector<16xf32>,
          %slice3A_1138 = vector.extract_strided_slice %get3A_1010 {offsets = [13], sizes = [1], strides = [1]} : vector<16xf32> to vector<1xf32>
          %squeeze3A_1139 = vector.extract %slice3A_1138[0] : f32 from vector<1xf32>
          %mul3A_1140 = vector.broadcast %squeeze3A_1139 : f32 to vector<16xf32>
          %mul3A_1141 = arith.mulf %gather3A_1137, %mul3A_1140 : vector<16xf32>
          %add3A_1142 = arith.addf %add3A_1133, %mul3A_1141 : vector<16xf32>
          %add3A_1143 = arith.constant 14 : i32
          %add3A_1144 = vector.broadcast %add3A_1143 : i32 to vector<16xi32>
          %add3A_1145 = arith.addi %mul3A_1006, %add3A_1144 : vector<16xi32>
          %gather3A_1146 = tpu.vector_load_idx %arg9[%add3A_994, %add3A_1145] : memref<832x128xf32, #tpu.memory_space<vmem>>[vector<16xi32>, vector<16xi32>], vector<16xf32>,
          %slice3A_1147 = vector.extract_strided_slice %get3A_1010 {offsets = [14], sizes = [1], strides = [1]} : vector<16xf32> to vector<1xf32>
          %squeeze3A_1148 = vector.extract %slice3A_1147[0] : f32 from vector<1xf32>
          %mul3A_1149 = vector.broadcast %squeeze3A_1148 : f32 to vector<16xf32>
          %mul3A_1150 = arith.mulf %gather3A_1146, %mul3A_1149 : vector<16xf32>
          %add3A_1151 = arith.addf %add3A_1142, %mul3A_1150 : vector<16xf32>
          %add3A_1152 = arith.constant 15 : i32
          %add3A_1153 = vector.broadcast %add3A_1152 : i32 to vector<16xi32>
          %add3A_1154 = arith.addi %mul3A_1006, %add3A_1153 : vector<16xi32>
          %gather3A_1155 = tpu.vector_load_idx %arg9[%add3A_994, %add3A_1154] : memref<832x128xf32, #tpu.memory_space<vmem>>[vector<16xi32>, vector<16xi32>], vector<16xf32>,
          %slice3A_1156 = vector.extract_strided_slice %get3A_1010 {offsets = [15], sizes = [1], strides = [1]} : vector<16xf32> to vector<1xf32>
          %squeeze3A_1157 = vector.extract %slice3A_1156[0] : f32 from vector<1xf32>
          %mul3A_1158 = vector.broadcast %squeeze3A_1157 : f32 to vector<16xf32>
          %mul3A_1159 = arith.mulf %gather3A_1155, %mul3A_1158 : vector<16xf32>
          %add3A_1160 = arith.addf %add3A_1151, %mul3A_1159 : vector<16xf32>
          %add3A_1161 = arith.constant 16 : i32
          %add3A_1162 = vector.broadcast %add3A_1161 : i32 to vector<16xi32>
          %add3A_1163 = arith.addi %mul3A_1006, %add3A_1162 : vector<16xi32>
          %add3A_1164 = arith.constant 0 : i32
          %add3A_1165 = vector.broadcast %add3A_1164 : i32 to vector<16xi32>
          %add3A_1166 = arith.addi %add3A_1163, %add3A_1165 : vector<16xi32>
          %gather3A_1167 = tpu.vector_load_idx %arg9[%add3A_994, %add3A_1166] : memref<832x128xf32, #tpu.memory_space<vmem>>[vector<16xi32>, vector<16xi32>], vector<16xf32>,
          %slice3A_1168 = vector.extract_strided_slice %get3A_1016 {offsets = [0], sizes = [1], strides = [1]} : vector<16xf32> to vector<1xf32>
          %squeeze3A_1169 = vector.extract %slice3A_1168[0] : f32 from vector<1xf32>
          %mul3A_1170 = vector.broadcast %squeeze3A_1169 : f32 to vector<16xf32>
          %mul3A_1171 = arith.mulf %gather3A_1167, %mul3A_1170 : vector<16xf32>
          %add3A_1172 = arith.addf %add3A_1160, %mul3A_1171 : vector<16xf32>
          %add3A_1173 = arith.constant 16 : i32
          %add3A_1174 = vector.broadcast %add3A_1173 : i32 to vector<16xi32>
          %add3A_1175 = arith.addi %mul3A_1006, %add3A_1174 : vector<16xi32>
          %add3A_1176 = arith.constant 1 : i32
          %add3A_1177 = vector.broadcast %add3A_1176 : i32 to vector<16xi32>
          %add3A_1178 = arith.addi %add3A_1175, %add3A_1177 : vector<16xi32>
          %gather3A_1179 = tpu.vector_load_idx %arg9[%add3A_994, %add3A_1178] : memref<832x128xf32, #tpu.memory_space<vmem>>[vector<16xi32>, vector<16xi32>], vector<16xf32>,
          %slice3A_1180 = vector.extract_strided_slice %get3A_1016 {offsets = [1], sizes = [1], strides = [1]} : vector<16xf32> to vector<1xf32>
          %squeeze3A_1181 = vector.extract %slice3A_1180[0] : f32 from vector<1xf32>
          %mul3A_1182 = vector.broadcast %squeeze3A_1181 : f32 to vector<16xf32>
          %mul3A_1183 = arith.mulf %gather3A_1179, %mul3A_1182 : vector<16xf32>
          %add3A_1184 = arith.addf %add3A_1172, %mul3A_1183 : vector<16xf32>
          %add3A_1185 = arith.constant 16 : i32
          %add3A_1186 = vector.broadcast %add3A_1185 : i32 to vector<16xi32>
          %add3A_1187 = arith.addi %mul3A_1006, %add3A_1186 : vector<16xi32>
          %add3A_1188 = arith.constant 2 : i32
          %add3A_1189 = vector.broadcast %add3A_1188 : i32 to vector<16xi32>
          %add3A_1190 = arith.addi %add3A_1187, %add3A_1189 : vector<16xi32>
          %gather3A_1191 = tpu.vector_load_idx %arg9[%add3A_994, %add3A_1190] : memref<832x128xf32, #tpu.memory_space<vmem>>[vector<16xi32>, vector<16xi32>], vector<16xf32>,
          %slice3A_1192 = vector.extract_strided_slice %get3A_1016 {offsets = [2], sizes = [1], strides = [1]} : vector<16xf32> to vector<1xf32>
          %squeeze3A_1193 = vector.extract %slice3A_1192[0] : f32 from vector<1xf32>
          %mul3A_1194 = vector.broadcast %squeeze3A_1193 : f32 to vector<16xf32>
          %mul3A_1195 = arith.mulf %gather3A_1191, %mul3A_1194 : vector<16xf32>
          %add3A_1196 = arith.addf %add3A_1184, %mul3A_1195 : vector<16xf32>
          %add3A_1197 = arith.constant 16 : i32
          %add3A_1198 = vector.broadcast %add3A_1197 : i32 to vector<16xi32>
          %add3A_1199 = arith.addi %mul3A_1006, %add3A_1198 : vector<16xi32>
          %add3A_1200 = arith.constant 3 : i32
          %add3A_1201 = vector.broadcast %add3A_1200 : i32 to vector<16xi32>
          %add3A_1202 = arith.addi %add3A_1199, %add3A_1201 : vector<16xi32>
          %gather3A_1203 = tpu.vector_load_idx %arg9[%add3A_994, %add3A_1202] : memref<832x128xf32, #tpu.memory_space<vmem>>[vector<16xi32>, vector<16xi32>], vector<16xf32>,
          %slice3A_1204 = vector.extract_strided_slice %get3A_1016 {offsets = [3], sizes = [1], strides = [1]} : vector<16xf32> to vector<1xf32>
          %squeeze3A_1205 = vector.extract %slice3A_1204[0] : f32 from vector<1xf32>
          %mul3A_1206 = vector.broadcast %squeeze3A_1205 : f32 to vector<16xf32>
          %mul3A_1207 = arith.mulf %gather3A_1203, %mul3A_1206 : vector<16xf32>
          %add3A_1208 = arith.addf %add3A_1196, %mul3A_1207 : vector<16xf32>
          %add3A_1209 = arith.constant 16 : i32
          %add3A_1210 = vector.broadcast %add3A_1209 : i32 to vector<16xi32>
          %add3A_1211 = arith.addi %mul3A_1006, %add3A_1210 : vector<16xi32>
          %add3A_1212 = arith.constant 4 : i32
          %add3A_1213 = vector.broadcast %add3A_1212 : i32 to vector<16xi32>
          %add3A_1214 = arith.addi %add3A_1211, %add3A_1213 : vector<16xi32>
          %gather3A_1215 = tpu.vector_load_idx %arg9[%add3A_994, %add3A_1214] : memref<832x128xf32, #tpu.memory_space<vmem>>[vector<16xi32>, vector<16xi32>], vector<16xf32>,
          %slice3A_1216 = vector.extract_strided_slice %get3A_1016 {offsets = [4], sizes = [1], strides = [1]} : vector<16xf32> to vector<1xf32>
          %squeeze3A_1217 = vector.extract %slice3A_1216[0] : f32 from vector<1xf32>
          %mul3A_1218 = vector.broadcast %squeeze3A_1217 : f32 to vector<16xf32>
          %mul3A_1219 = arith.mulf %gather3A_1215, %mul3A_1218 : vector<16xf32>
          %add3A_1220 = arith.addf %add3A_1208, %mul3A_1219 : vector<16xf32>
          %add3A_1221 = arith.constant 16 : i32
          %add3A_1222 = vector.broadcast %add3A_1221 : i32 to vector<16xi32>
          %add3A_1223 = arith.addi %mul3A_1006, %add3A_1222 : vector<16xi32>
          %add3A_1224 = arith.constant 5 : i32
          %add3A_1225 = vector.broadcast %add3A_1224 : i32 to vector<16xi32>
          %add3A_1226 = arith.addi %add3A_1223, %add3A_1225 : vector<16xi32>
          %gather3A_1227 = tpu.vector_load_idx %arg9[%add3A_994, %add3A_1226] : memref<832x128xf32, #tpu.memory_space<vmem>>[vector<16xi32>, vector<16xi32>], vector<16xf32>,
          %slice3A_1228 = vector.extract_strided_slice %get3A_1016 {offsets = [5], sizes = [1], strides = [1]} : vector<16xf32> to vector<1xf32>
          %squeeze3A_1229 = vector.extract %slice3A_1228[0] : f32 from vector<1xf32>
          %mul3A_1230 = vector.broadcast %squeeze3A_1229 : f32 to vector<16xf32>
          %mul3A_1231 = arith.mulf %gather3A_1227, %mul3A_1230 : vector<16xf32>
          %add3A_1232 = arith.addf %add3A_1220, %mul3A_1231 : vector<16xf32>
          %add3A_1233 = arith.constant 16 : i32
          %add3A_1234 = vector.broadcast %add3A_1233 : i32 to vector<16xi32>
          %add3A_1235 = arith.addi %mul3A_1006, %add3A_1234 : vector<16xi32>
          %add3A_1236 = arith.constant 6 : i32
          %add3A_1237 = vector.broadcast %add3A_1236 : i32 to vector<16xi32>
          %add3A_1238 = arith.addi %add3A_1235, %add3A_1237 : vector<16xi32>
          %gather3A_1239 = tpu.vector_load_idx %arg9[%add3A_994, %add3A_1238] : memref<832x128xf32, #tpu.memory_space<vmem>>[vector<16xi32>, vector<16xi32>], vector<16xf32>,
          %slice3A_1240 = vector.extract_strided_slice %get3A_1016 {offsets = [6], sizes = [1], strides = [1]} : vector<16xf32> to vector<1xf32>
          %squeeze3A_1241 = vector.extract %slice3A_1240[0] : f32 from vector<1xf32>
          %mul3A_1242 = vector.broadcast %squeeze3A_1241 : f32 to vector<16xf32>
          %mul3A_1243 = arith.mulf %gather3A_1239, %mul3A_1242 : vector<16xf32>
          %add3A_1244 = arith.addf %add3A_1232, %mul3A_1243 : vector<16xf32>
          %add3A_1245 = arith.constant 16 : i32
          %add3A_1246 = vector.broadcast %add3A_1245 : i32 to vector<16xi32>
          %add3A_1247 = arith.addi %mul3A_1006, %add3A_1246 : vector<16xi32>
          %add3A_1248 = arith.constant 7 : i32
          %add3A_1249 = vector.broadcast %add3A_1248 : i32 to vector<16xi32>
          %add3A_1250 = arith.addi %add3A_1247, %add3A_1249 : vector<16xi32>
          %gather3A_1251 = tpu.vector_load_idx %arg9[%add3A_994, %add3A_1250] : memref<832x128xf32, #tpu.memory_space<vmem>>[vector<16xi32>, vector<16xi32>], vector<16xf32>,
          %slice3A_1252 = vector.extract_strided_slice %get3A_1016 {offsets = [7], sizes = [1], strides = [1]} : vector<16xf32> to vector<1xf32>
          %squeeze3A_1253 = vector.extract %slice3A_1252[0] : f32 from vector<1xf32>
          %mul3A_1254 = vector.broadcast %squeeze3A_1253 : f32 to vector<16xf32>
          %mul3A_1255 = arith.mulf %gather3A_1251, %mul3A_1254 : vector<16xf32>
          %add3A_1256 = arith.addf %add3A_1244, %mul3A_1255 : vector<16xf32>
          %add3A_1257 = arith.constant 16 : i32
          %add3A_1258 = vector.broadcast %add3A_1257 : i32 to vector<16xi32>
          %add3A_1259 = arith.addi %mul3A_1006, %add3A_1258 : vector<16xi32>
          %add3A_1260 = arith.constant 8 : i32
          %add3A_1261 = vector.broadcast %add3A_1260 : i32 to vector<16xi32>
          %add3A_1262 = arith.addi %add3A_1259, %add3A_1261 : vector<16xi32>
          %gather3A_1263 = tpu.vector_load_idx %arg9[%add3A_994, %add3A_1262] : memref<832x128xf32, #tpu.memory_space<vmem>>[vector<16xi32>, vector<16xi32>], vector<16xf32>,
          %slice3A_1264 = vector.extract_strided_slice %get3A_1016 {offsets = [8], sizes = [1], strides = [1]} : vector<16xf32> to vector<1xf32>
          %squeeze3A_1265 = vector.extract %slice3A_1264[0] : f32 from vector<1xf32>
          %mul3A_1266 = vector.broadcast %squeeze3A_1265 : f32 to vector<16xf32>
          %mul3A_1267 = arith.mulf %gather3A_1263, %mul3A_1266 : vector<16xf32>
          %add3A_1268 = arith.addf %add3A_1256, %mul3A_1267 : vector<16xf32>
          %add3A_1269 = arith.constant 16 : i32
          %add3A_1270 = vector.broadcast %add3A_1269 : i32 to vector<16xi32>
          %add3A_1271 = arith.addi %mul3A_1006, %add3A_1270 : vector<16xi32>
          %add3A_1272 = arith.constant 9 : i32
          %add3A_1273 = vector.broadcast %add3A_1272 : i32 to vector<16xi32>
          %add3A_1274 = arith.addi %add3A_1271, %add3A_1273 : vector<16xi32>
          %gather3A_1275 = tpu.vector_load_idx %arg9[%add3A_994, %add3A_1274] : memref<832x128xf32, #tpu.memory_space<vmem>>[vector<16xi32>, vector<16xi32>], vector<16xf32>,
          %slice3A_1276 = vector.extract_strided_slice %get3A_1016 {offsets = [9], sizes = [1], strides = [1]} : vector<16xf32> to vector<1xf32>
          %squeeze3A_1277 = vector.extract %slice3A_1276[0] : f32 from vector<1xf32>
          %mul3A_1278 = vector.broadcast %squeeze3A_1277 : f32 to vector<16xf32>
          %mul3A_1279 = arith.mulf %gather3A_1275, %mul3A_1278 : vector<16xf32>
          %add3A_1280 = arith.addf %add3A_1268, %mul3A_1279 : vector<16xf32>
          %add3A_1281 = arith.constant 16 : i32
          %add3A_1282 = vector.broadcast %add3A_1281 : i32 to vector<16xi32>
          %add3A_1283 = arith.addi %mul3A_1006, %add3A_1282 : vector<16xi32>
          %add3A_1284 = arith.constant 10 : i32
          %add3A_1285 = vector.broadcast %add3A_1284 : i32 to vector<16xi32>
          %add3A_1286 = arith.addi %add3A_1283, %add3A_1285 : vector<16xi32>
          %gather3A_1287 = tpu.vector_load_idx %arg9[%add3A_994, %add3A_1286] : memref<832x128xf32, #tpu.memory_space<vmem>>[vector<16xi32>, vector<16xi32>], vector<16xf32>,
          %slice3A_1288 = vector.extract_strided_slice %get3A_1016 {offsets = [10], sizes = [1], strides = [1]} : vector<16xf32> to vector<1xf32>
          %squeeze3A_1289 = vector.extract %slice3A_1288[0] : f32 from vector<1xf32>
          %mul3A_1290 = vector.broadcast %squeeze3A_1289 : f32 to vector<16xf32>
          %mul3A_1291 = arith.mulf %gather3A_1287, %mul3A_1290 : vector<16xf32>
          %add3A_1292 = arith.addf %add3A_1280, %mul3A_1291 : vector<16xf32>
          %add3A_1293 = arith.constant 16 : i32
          %add3A_1294 = vector.broadcast %add3A_1293 : i32 to vector<16xi32>
          %add3A_1295 = arith.addi %mul3A_1006, %add3A_1294 : vector<16xi32>
          %add3A_1296 = arith.constant 11 : i32
          %add3A_1297 = vector.broadcast %add3A_1296 : i32 to vector<16xi32>
          %add3A_1298 = arith.addi %add3A_1295, %add3A_1297 : vector<16xi32>
          %gather3A_1299 = tpu.vector_load_idx %arg9[%add3A_994, %add3A_1298] : memref<832x128xf32, #tpu.memory_space<vmem>>[vector<16xi32>, vector<16xi32>], vector<16xf32>,
          %slice3A_1300 = vector.extract_strided_slice %get3A_1016 {offsets = [11], sizes = [1], strides = [1]} : vector<16xf32> to vector<1xf32>
          %squeeze3A_1301 = vector.extract %slice3A_1300[0] : f32 from vector<1xf32>
          %mul3A_1302 = vector.broadcast %squeeze3A_1301 : f32 to vector<16xf32>
          %mul3A_1303 = arith.mulf %gather3A_1299, %mul3A_1302 : vector<16xf32>
          %add3A_1304 = arith.addf %add3A_1292, %mul3A_1303 : vector<16xf32>
          %add3A_1305 = arith.constant 16 : i32
          %add3A_1306 = vector.broadcast %add3A_1305 : i32 to vector<16xi32>
          %add3A_1307 = arith.addi %mul3A_1006, %add3A_1306 : vector<16xi32>
          %add3A_1308 = arith.constant 12 : i32
          %add3A_1309 = vector.broadcast %add3A_1308 : i32 to vector<16xi32>
          %add3A_1310 = arith.addi %add3A_1307, %add3A_1309 : vector<16xi32>
          %gather3A_1311 = tpu.vector_load_idx %arg9[%add3A_994, %add3A_1310] : memref<832x128xf32, #tpu.memory_space<vmem>>[vector<16xi32>, vector<16xi32>], vector<16xf32>,
          %slice3A_1312 = vector.extract_strided_slice %get3A_1016 {offsets = [12], sizes = [1], strides = [1]} : vector<16xf32> to vector<1xf32>
          %squeeze3A_1313 = vector.extract %slice3A_1312[0] : f32 from vector<1xf32>
          %mul3A_1314 = vector.broadcast %squeeze3A_1313 : f32 to vector<16xf32>
          %mul3A_1315 = arith.mulf %gather3A_1311, %mul3A_1314 : vector<16xf32>
          %add3A_1316 = arith.addf %add3A_1304, %mul3A_1315 : vector<16xf32>
          %add3A_1317 = arith.constant 16 : i32
          %add3A_1318 = vector.broadcast %add3A_1317 : i32 to vector<16xi32>
          %add3A_1319 = arith.addi %mul3A_1006, %add3A_1318 : vector<16xi32>
          %add3A_1320 = arith.constant 13 : i32
          %add3A_1321 = vector.broadcast %add3A_1320 : i32 to vector<16xi32>
          %add3A_1322 = arith.addi %add3A_1319, %add3A_1321 : vector<16xi32>
          %gather3A_1323 = tpu.vector_load_idx %arg9[%add3A_994, %add3A_1322] : memref<832x128xf32, #tpu.memory_space<vmem>>[vector<16xi32>, vector<16xi32>], vector<16xf32>,
          %slice3A_1324 = vector.extract_strided_slice %get3A_1016 {offsets = [13], sizes = [1], strides = [1]} : vector<16xf32> to vector<1xf32>
          %squeeze3A_1325 = vector.extract %slice3A_1324[0] : f32 from vector<1xf32>
          %mul3A_1326 = vector.broadcast %squeeze3A_1325 : f32 to vector<16xf32>
          %mul3A_1327 = arith.mulf %gather3A_1323, %mul3A_1326 : vector<16xf32>
          %add3A_1328 = arith.addf %add3A_1316, %mul3A_1327 : vector<16xf32>
          %add3A_1329 = arith.constant 16 : i32
          %add3A_1330 = vector.broadcast %add3A_1329 : i32 to vector<16xi32>
          %add3A_1331 = arith.addi %mul3A_1006, %add3A_1330 : vector<16xi32>
          %add3A_1332 = arith.constant 14 : i32
          %add3A_1333 = vector.broadcast %add3A_1332 : i32 to vector<16xi32>
          %add3A_1334 = arith.addi %add3A_1331, %add3A_1333 : vector<16xi32>
          %gather3A_1335 = tpu.vector_load_idx %arg9[%add3A_994, %add3A_1334] : memref<832x128xf32, #tpu.memory_space<vmem>>[vector<16xi32>, vector<16xi32>], vector<16xf32>,
          %slice3A_1336 = vector.extract_strided_slice %get3A_1016 {offsets = [14], sizes = [1], strides = [1]} : vector<16xf32> to vector<1xf32>
          %squeeze3A_1337 = vector.extract %slice3A_1336[0] : f32 from vector<1xf32>
          %mul3A_1338 = vector.broadcast %squeeze3A_1337 : f32 to vector<16xf32>
          %mul3A_1339 = arith.mulf %gather3A_1335, %mul3A_1338 : vector<16xf32>
          %add3A_1340 = arith.addf %add3A_1328, %mul3A_1339 : vector<16xf32>
          %add3A_1341 = arith.constant 16 : i32
          %add3A_1342 = vector.broadcast %add3A_1341 : i32 to vector<16xi32>
          %add3A_1343 = arith.addi %mul3A_1006, %add3A_1342 : vector<16xi32>
          %add3A_1344 = arith.constant 15 : i32
          %add3A_1345 = vector.broadcast %add3A_1344 : i32 to vector<16xi32>
          %add3A_1346 = arith.addi %add3A_1343, %add3A_1345 : vector<16xi32>
          %gather3A_1347 = tpu.vector_load_idx %arg9[%add3A_994, %add3A_1346] : memref<832x128xf32, #tpu.memory_space<vmem>>[vector<16xi32>, vector<16xi32>], vector<16xf32>,
          %slice3A_1348 = vector.extract_strided_slice %get3A_1016 {offsets = [15], sizes = [1], strides = [1]} : vector<16xf32> to vector<1xf32>
          %squeeze3A_1349 = vector.extract %slice3A_1348[0] : f32 from vector<1xf32>
          %mul3A_1350 = vector.broadcast %squeeze3A_1349 : f32 to vector<16xf32>
          %mul3A_1351 = arith.mulf %gather3A_1347, %mul3A_1350 : vector<16xf32>
          %add3A_1352 = arith.addf %add3A_1340, %mul3A_1351 : vector<16xf32>
          scf.yield %add3A_1352 : vector<16xf32>
        }
        %scan3A_857 = arith.constant 26 : i32
        %add3A_858 = vector.broadcast %mul3A_846 : i32 to vector<16xi32>
        %add3A_859 = arith.addi %add3A_858, %iota3A : vector<16xi32>
        %mul3A_860 = arith.constant 13 : i32
        %mul3A_861 = vector.broadcast %mul3A_860 : i32 to vector<16xi32>
        %mul3A_862 = arith.muli %add3A_859, %mul3A_861 : vector<16xi32>
        %add3A_863 = arith.constant 0 : i32
        %add3A_864 = vector.broadcast %add3A_863 : i32 to vector<16xi32>
        %add3A_865 = arith.addi %mul3A_862, %add3A_864 : vector<16xi32>
        %gather3A = tpu.vector_load_idx %arg10[%add3A_865] : memref<416xf32, #tpu.memory_space<vmem>>[vector<16xi32>], vector<16xf32>,
        %slice3A_866 = vector.extract_strided_slice %get3A_837 {offsets = [0], sizes = [1], strides = [1]} : vector<16xf32> to vector<1xf32>
        %squeeze3A_867 = vector.extract %slice3A_866[0] : f32 from vector<1xf32>
        %mul3A_868 = vector.broadcast %squeeze3A_867 : f32 to vector<16xf32>
        %mul3A_869 = arith.mulf %gather3A, %mul3A_868 : vector<16xf32>
        %add3A_870 = arith.addf %scan3A_856, %mul3A_869 : vector<16xf32>
        %add3A_871 = arith.constant 1 : i32
        %add3A_872 = vector.broadcast %add3A_871 : i32 to vector<16xi32>
        %add3A_873 = arith.addi %mul3A_862, %add3A_872 : vector<16xi32>
        %gather3A_874 = tpu.vector_load_idx %arg10[%add3A_873] : memref<416xf32, #tpu.memory_space<vmem>>[vector<16xi32>], vector<16xf32>,
        %slice3A_875 = vector.extract_strided_slice %get3A_837 {offsets = [1], sizes = [1], strides = [1]} : vector<16xf32> to vector<1xf32>
        %squeeze3A_876 = vector.extract %slice3A_875[0] : f32 from vector<1xf32>
        %mul3A_877 = vector.broadcast %squeeze3A_876 : f32 to vector<16xf32>
        %mul3A_878 = arith.mulf %gather3A_874, %mul3A_877 : vector<16xf32>
        %add3A_879 = arith.addf %add3A_870, %mul3A_878 : vector<16xf32>
        %add3A_880 = arith.constant 2 : i32
        %add3A_881 = vector.broadcast %add3A_880 : i32 to vector<16xi32>
        %add3A_882 = arith.addi %mul3A_862, %add3A_881 : vector<16xi32>
        %gather3A_883 = tpu.vector_load_idx %arg10[%add3A_882] : memref<416xf32, #tpu.memory_space<vmem>>[vector<16xi32>], vector<16xf32>,
        %slice3A_884 = vector.extract_strided_slice %get3A_837 {offsets = [2], sizes = [1], strides = [1]} : vector<16xf32> to vector<1xf32>
        %squeeze3A_885 = vector.extract %slice3A_884[0] : f32 from vector<1xf32>
        %mul3A_886 = vector.broadcast %squeeze3A_885 : f32 to vector<16xf32>
        %mul3A_887 = arith.mulf %gather3A_883, %mul3A_886 : vector<16xf32>
        %add3A_888 = arith.addf %add3A_879, %mul3A_887 : vector<16xf32>
        %add3A_889 = arith.constant 3 : i32
        %add3A_890 = vector.broadcast %add3A_889 : i32 to vector<16xi32>
        %add3A_891 = arith.addi %mul3A_862, %add3A_890 : vector<16xi32>
        %gather3A_892 = tpu.vector_load_idx %arg10[%add3A_891] : memref<416xf32, #tpu.memory_space<vmem>>[vector<16xi32>], vector<16xf32>,
        %slice3A_893 = vector.extract_strided_slice %get3A_837 {offsets = [3], sizes = [1], strides = [1]} : vector<16xf32> to vector<1xf32>
        %squeeze3A_894 = vector.extract %slice3A_893[0] : f32 from vector<1xf32>
        %mul3A_895 = vector.broadcast %squeeze3A_894 : f32 to vector<16xf32>
        %mul3A_896 = arith.mulf %gather3A_892, %mul3A_895 : vector<16xf32>
        %add3A_897 = arith.addf %add3A_888, %mul3A_896 : vector<16xf32>
        %add3A_898 = arith.constant 4 : i32
        %add3A_899 = vector.broadcast %add3A_898 : i32 to vector<16xi32>
        %add3A_900 = arith.addi %mul3A_862, %add3A_899 : vector<16xi32>
        %gather3A_901 = tpu.vector_load_idx %arg10[%add3A_900] : memref<416xf32, #tpu.memory_space<vmem>>[vector<16xi32>], vector<16xf32>,
        %slice3A_902 = vector.extract_strided_slice %get3A_837 {offsets = [4], sizes = [1], strides = [1]} : vector<16xf32> to vector<1xf32>
        %squeeze3A_903 = vector.extract %slice3A_902[0] : f32 from vector<1xf32>
        %mul3A_904 = vector.broadcast %squeeze3A_903 : f32 to vector<16xf32>
        %mul3A_905 = arith.mulf %gather3A_901, %mul3A_904 : vector<16xf32>
        %add3A_906 = arith.addf %add3A_897, %mul3A_905 : vector<16xf32>
        %add3A_907 = arith.constant 5 : i32
        %add3A_908 = vector.broadcast %add3A_907 : i32 to vector<16xi32>
        %add3A_909 = arith.addi %mul3A_862, %add3A_908 : vector<16xi32>
        %gather3A_910 = tpu.vector_load_idx %arg10[%add3A_909] : memref<416xf32, #tpu.memory_space<vmem>>[vector<16xi32>], vector<16xf32>,
        %slice3A_911 = vector.extract_strided_slice %get3A_837 {offsets = [5], sizes = [1], strides = [1]} : vector<16xf32> to vector<1xf32>
        %squeeze3A_912 = vector.extract %slice3A_911[0] : f32 from vector<1xf32>
        %mul3A_913 = vector.broadcast %squeeze3A_912 : f32 to vector<16xf32>
        %mul3A_914 = arith.mulf %gather3A_910, %mul3A_913 : vector<16xf32>
        %add3A_915 = arith.addf %add3A_906, %mul3A_914 : vector<16xf32>
        %add3A_916 = arith.constant 6 : i32
        %add3A_917 = vector.broadcast %add3A_916 : i32 to vector<16xi32>
        %add3A_918 = arith.addi %mul3A_862, %add3A_917 : vector<16xi32>
        %gather3A_919 = tpu.vector_load_idx %arg10[%add3A_918] : memref<416xf32, #tpu.memory_space<vmem>>[vector<16xi32>], vector<16xf32>,
        %slice3A_920 = vector.extract_strided_slice %get3A_837 {offsets = [6], sizes = [1], strides = [1]} : vector<16xf32> to vector<1xf32>
        %squeeze3A_921 = vector.extract %slice3A_920[0] : f32 from vector<1xf32>
        %mul3A_922 = vector.broadcast %squeeze3A_921 : f32 to vector<16xf32>
        %mul3A_923 = arith.mulf %gather3A_919, %mul3A_922 : vector<16xf32>
        %add3A_924 = arith.addf %add3A_915, %mul3A_923 : vector<16xf32>
        %add3A_925 = arith.constant 7 : i32
        %add3A_926 = vector.broadcast %add3A_925 : i32 to vector<16xi32>
        %add3A_927 = arith.addi %mul3A_862, %add3A_926 : vector<16xi32>
        %gather3A_928 = tpu.vector_load_idx %arg10[%add3A_927] : memref<416xf32, #tpu.memory_space<vmem>>[vector<16xi32>], vector<16xf32>,
        %slice3A_929 = vector.extract_strided_slice %get3A_837 {offsets = [7], sizes = [1], strides = [1]} : vector<16xf32> to vector<1xf32>
        %squeeze3A_930 = vector.extract %slice3A_929[0] : f32 from vector<1xf32>
        %mul3A_931 = vector.broadcast %squeeze3A_930 : f32 to vector<16xf32>
        %mul3A_932 = arith.mulf %gather3A_928, %mul3A_931 : vector<16xf32>
        %add3A_933 = arith.addf %add3A_924, %mul3A_932 : vector<16xf32>
        %add3A_934 = arith.constant 8 : i32
        %add3A_935 = vector.broadcast %add3A_934 : i32 to vector<16xi32>
        %add3A_936 = arith.addi %mul3A_862, %add3A_935 : vector<16xi32>
        %gather3A_937 = tpu.vector_load_idx %arg10[%add3A_936] : memref<416xf32, #tpu.memory_space<vmem>>[vector<16xi32>], vector<16xf32>,
        %slice3A_938 = vector.extract_strided_slice %get3A_837 {offsets = [8], sizes = [1], strides = [1]} : vector<16xf32> to vector<1xf32>
        %squeeze3A_939 = vector.extract %slice3A_938[0] : f32 from vector<1xf32>
        %mul3A_940 = vector.broadcast %squeeze3A_939 : f32 to vector<16xf32>
        %mul3A_941 = arith.mulf %gather3A_937, %mul3A_940 : vector<16xf32>
        %add3A_942 = arith.addf %add3A_933, %mul3A_941 : vector<16xf32>
        %add3A_943 = arith.constant 9 : i32
        %add3A_944 = vector.broadcast %add3A_943 : i32 to vector<16xi32>
        %add3A_945 = arith.addi %mul3A_862, %add3A_944 : vector<16xi32>
        %gather3A_946 = tpu.vector_load_idx %arg10[%add3A_945] : memref<416xf32, #tpu.memory_space<vmem>>[vector<16xi32>], vector<16xf32>,
        %slice3A_947 = vector.extract_strided_slice %get3A_837 {offsets = [9], sizes = [1], strides = [1]} : vector<16xf32> to vector<1xf32>
        %squeeze3A_948 = vector.extract %slice3A_947[0] : f32 from vector<1xf32>
        %mul3A_949 = vector.broadcast %squeeze3A_948 : f32 to vector<16xf32>
        %mul3A_950 = arith.mulf %gather3A_946, %mul3A_949 : vector<16xf32>
        %add3A_951 = arith.addf %add3A_942, %mul3A_950 : vector<16xf32>
        %add3A_952 = arith.constant 10 : i32
        %add3A_953 = vector.broadcast %add3A_952 : i32 to vector<16xi32>
        %add3A_954 = arith.addi %mul3A_862, %add3A_953 : vector<16xi32>
        %gather3A_955 = tpu.vector_load_idx %arg10[%add3A_954] : memref<416xf32, #tpu.memory_space<vmem>>[vector<16xi32>], vector<16xf32>,
        %slice3A_956 = vector.extract_strided_slice %get3A_837 {offsets = [10], sizes = [1], strides = [1]} : vector<16xf32> to vector<1xf32>
        %squeeze3A_957 = vector.extract %slice3A_956[0] : f32 from vector<1xf32>
        %mul3A_958 = vector.broadcast %squeeze3A_957 : f32 to vector<16xf32>
        %mul3A_959 = arith.mulf %gather3A_955, %mul3A_958 : vector<16xf32>
        %add3A_960 = arith.addf %add3A_951, %mul3A_959 : vector<16xf32>
        %add3A_961 = arith.constant 11 : i32
        %add3A_962 = vector.broadcast %add3A_961 : i32 to vector<16xi32>
        %add3A_963 = arith.addi %mul3A_862, %add3A_962 : vector<16xi32>
        %gather3A_964 = tpu.vector_load_idx %arg10[%add3A_963] : memref<416xf32, #tpu.memory_space<vmem>>[vector<16xi32>], vector<16xf32>,
        %slice3A_965 = vector.extract_strided_slice %get3A_837 {offsets = [11], sizes = [1], strides = [1]} : vector<16xf32> to vector<1xf32>
        %squeeze3A_966 = vector.extract %slice3A_965[0] : f32 from vector<1xf32>
        %mul3A_967 = vector.broadcast %squeeze3A_966 : f32 to vector<16xf32>
        %mul3A_968 = arith.mulf %gather3A_964, %mul3A_967 : vector<16xf32>
        %add3A_969 = arith.addf %add3A_960, %mul3A_968 : vector<16xf32>
        %add3A_970 = arith.constant 12 : i32
        %add3A_971 = vector.broadcast %add3A_970 : i32 to vector<16xi32>
        %add3A_972 = arith.addi %mul3A_862, %add3A_971 : vector<16xi32>
        %gather3A_973 = tpu.vector_load_idx %arg10[%add3A_972] : memref<416xf32, #tpu.memory_space<vmem>>[vector<16xi32>], vector<16xf32>,
        %slice3A_974 = vector.extract_strided_slice %get3A_837 {offsets = [12], sizes = [1], strides = [1]} : vector<16xf32> to vector<1xf32>
        %squeeze3A_975 = vector.extract %slice3A_974[0] : f32 from vector<1xf32>
        %mul3A_976 = vector.broadcast %squeeze3A_975 : f32 to vector<16xf32>
        %mul3A_977 = arith.mulf %gather3A_973, %mul3A_976 : vector<16xf32>
        %add3A_978 = arith.addf %add3A_969, %mul3A_977 : vector<16xf32>
        %neg3A = arith.constant 0.000000e+00 : f32
        %neg3A_979 = vector.broadcast %neg3A : f32 to vector<16xf32>
        %neg3A_980 = arith.subf %neg3A_979, %add3A_978 : vector<16xf32>
        %exp3A = math.exp %neg3A_980 : vector<16xf32>
        %add3A_981 = arith.constant 1.000000e+00 : f32
        %add3A_982 = vector.broadcast %add3A_981 : f32 to vector<16xf32>
        %add3A_983 = arith.addf %add3A_982, %exp3A : vector<16xf32>
        %div3A = arith.constant 1.000000e+00 : f32
        %div3A_984 = vector.broadcast %div3A : f32 to vector<16xf32>
        %div3A_985 = arith.divf %div3A_984, %add3A_983 : vector<16xf32>
        %mul3A_986 = arith.constant 32 : i32
        %mul3A_987 = arith.muli %scan3A_8, %mul3A_986 : i32
        %add3A_988 = arith.addi %mul3A_987, %mul3A_846 : i32
        %swap3A_989 = arith.index_cast %add3A_988 : i32 to index
        %swap3A_990 = tpu.vector_load %arg12[%swap3A_989] {strides = array<i32>} : memref<512xf32, #tpu.memory_space<vmem>>, vector<16xf32>,
        tpu.vector_store %arg12[%swap3A_989], %div3A_985 {strides = array<i32>} : memref<512xf32, #tpu.memory_space<vmem>>, vector<16xf32>,
      }
      %scan3A_843 = arith.constant 2 : i32
    }
    %scan3A_5 = arith.constant 16 : i32
    %mul3A_6 = arith.constant 512 : i32
    %mul3A_7 = arith.muli %add3A, %mul3A_6 : i32
    "tpu.region"() ({
      %run_scoped3A = tpu.sem_alloc : memref<!tpu.dma_semaphore, #tpu.memory_space<semaphore_mem>>
      %dma_start3A = tpu.memref_slice %arg6[%mul3A_7] : memref<16384xf32, #tpu.memory_space<hbm>> -> memref<512xf32, #tpu.memory_space<hbm>>
      %dma_start3A_8 = tpu.memref_slice %arg6[%mul3A_7] : memref<16384xf32, #tpu.memory_space<hbm>> -> memref<512xf32, #tpu.memory_space<hbm>>
      tpu.enqueue_dma source(%arg12 : memref<512xf32, #tpu.memory_space<vmem>>) target(%dma_start3A_8 : memref<512xf32, #tpu.memory_space<hbm>>) target_semaphore(%run_scoped3A : memref<!tpu.dma_semaphore, #tpu.memory_space<semaphore_mem>>)
      %dma_wait3A = tpu.memref_slice %arg6[%mul3A_7] : memref<16384xf32, #tpu.memory_space<hbm>> -> memref<512xf32, #tpu.memory_space<hbm>>
      %dma_wait3A_9 = tpu.memref_slice %arg6[%mul3A_7] : memref<16384xf32, #tpu.memory_space<hbm>> -> memref<512xf32, #tpu.memory_space<hbm>>
      tpu.wait_dma2 semaphore(%run_scoped3A : memref<!tpu.dma_semaphore, #tpu.memory_space<semaphore_mem>>) src(%arg12 : memref<512xf32, #tpu.memory_space<vmem>>) dst(%dma_wait3A_9 : memref<512xf32, #tpu.memory_space<hbm>>)
      tpu.yield
    }) : () -> ()
    return
  }
}

module attributes {stable_mosaic.version = 14 : i64} {
  func.func @_fold_body(%arg0: memref<848x16xf32, #tpu.memory_space<vmem>>, %arg1: memref<16x8xf32, #tpu.memory_space<vmem>>, %arg2: memref<8x4xf32, #tpu.memory_space<vmem>>, %arg3: memref<4x2xf32, #tpu.memory_space<vmem>>, %arg4: memref<2x1xf32, #tpu.memory_space<vmem>>, %arg5: memref<1x16xf32, #tpu.memory_space<vmem>>, %arg6: memref<1x8xf32, #tpu.memory_space<vmem>>, %arg7: memref<1x4xf32, #tpu.memory_space<vmem>>, %arg8: memref<1x2xf32, #tpu.memory_space<vmem>>, %arg9: memref<1x1xf32, #tpu.memory_space<vmem>>, %arg10: memref<848x1xf32, #tpu.memory_space<vmem>>) attributes {dimension_semantics = [], scalar_prefetch = 0 : i64, scratch_operands = 0 : i64, tpu.core_type = #tpu.core_type<tc>} {
    %get3A = arith.constant 0 : index
    %get3A_0 = arith.constant 0 : index
    %get3A_1 = vector.load %arg4[%get3A, %get3A_0] : memref<2x1xf32, #tpu.memory_space<vmem>>, vector<2x1xf32>
    %get3A_2 = arith.constant 0 : index
    %get3A_3 = arith.constant 0 : index
    %get3A_4 = vector.load %arg3[%get3A_2, %get3A_3] : memref<4x2xf32, #tpu.memory_space<vmem>>, vector<4x2xf32>
    %dot_general3A = arith.constant dense<0.000000e+00> : vector<4x1xf32>
    %dot_general3A_5 = tpu.matmul %get3A_4, %get3A_1, %dot_general3A {dimension_numbers = #tpu.dot_dimension_numbers<[1], [0], [0], [1], [0, 0, 1, 1], [], []>, precision = #tpu.contract_precision<fp32>, transpose_lhs_hint = false} : vector<4x2xf32>, vector<2x1xf32>, vector<4x1xf32> -> vector<4x1xf32>
    %get3A_6 = arith.constant 0 : index
    %get3A_7 = arith.constant 0 : index
    %get3A_8 = vector.load %arg2[%get3A_6, %get3A_7] : memref<8x4xf32, #tpu.memory_space<vmem>>, vector<8x4xf32>
    %dot_general3A_9 = arith.constant dense<0.000000e+00> : vector<8x1xf32>
    %dot_general3A_10 = tpu.matmul %get3A_8, %dot_general3A_5, %dot_general3A_9 {dimension_numbers = #tpu.dot_dimension_numbers<[1], [0], [0], [1], [0, 0, 1, 1], [], []>, precision = #tpu.contract_precision<fp32>, transpose_lhs_hint = false} : vector<8x4xf32>, vector<4x1xf32>, vector<8x1xf32> -> vector<8x1xf32>
    %get3A_11 = arith.constant 0 : index
    %get3A_12 = arith.constant 0 : index
    %get3A_13 = vector.load %arg1[%get3A_11, %get3A_12] : memref<16x8xf32, #tpu.memory_space<vmem>>, vector<16x8xf32>
    %dot_general3A_14 = arith.constant dense<0.000000e+00> : vector<16x1xf32>
    %dot_general3A_15 = tpu.matmul %get3A_13, %dot_general3A_10, %dot_general3A_14 {dimension_numbers = #tpu.dot_dimension_numbers<[1], [0], [0], [1], [0, 0, 1, 1], [], []>, precision = #tpu.contract_precision<fp32>, transpose_lhs_hint = false} : vector<16x8xf32>, vector<8x1xf32>, vector<16x1xf32> -> vector<16x1xf32>
    %get3A_16 = arith.constant 0 : index
    %get3A_17 = arith.constant 0 : index
    %get3A_18 = vector.load %arg0[%get3A_16, %get3A_17] : memref<848x16xf32, #tpu.memory_space<vmem>>, vector<848x16xf32>
    %dot_general3A_19 = arith.constant dense<0.000000e+00> : vector<848x1xf32>
    %dot_general3A_20 = tpu.matmul %get3A_18, %dot_general3A_15, %dot_general3A_19 {dimension_numbers = #tpu.dot_dimension_numbers<[1], [0], [0], [1], [0, 0, 1, 1], [], []>, precision = #tpu.contract_precision<fp32>, transpose_lhs_hint = false} : vector<848x16xf32>, vector<16x1xf32>, vector<848x1xf32> -> vector<848x1xf32>
    %get3A_21 = arith.constant 0 : index
    %get3A_22 = arith.constant 0 : index
    %get3A_23 = vector.load %arg5[%get3A_21, %get3A_22] : memref<1x16xf32, #tpu.memory_space<vmem>>, vector<1x16xf32>
    %dot_general3A_24 = arith.constant dense<0.000000e+00> : vector<1x1xf32>
    %dot_general3A_25 = tpu.matmul %get3A_23, %dot_general3A_15, %dot_general3A_24 {dimension_numbers = #tpu.dot_dimension_numbers<[1], [0], [0], [1], [0, 0, 1, 1], [], []>, precision = #tpu.contract_precision<fp32>, transpose_lhs_hint = false} : vector<1x16xf32>, vector<16x1xf32>, vector<1x1xf32> -> vector<1x1xf32>
    %get3A_26 = arith.constant 0 : index
    %get3A_27 = arith.constant 0 : index
    %get3A_28 = vector.load %arg6[%get3A_26, %get3A_27] : memref<1x8xf32, #tpu.memory_space<vmem>>, vector<1x8xf32>
    %dot_general3A_29 = arith.constant dense<0.000000e+00> : vector<1x1xf32>
    %dot_general3A_30 = tpu.matmul %get3A_28, %dot_general3A_10, %dot_general3A_29 {dimension_numbers = #tpu.dot_dimension_numbers<[1], [0], [0], [1], [0, 0, 1, 1], [], []>, precision = #tpu.contract_precision<fp32>, transpose_lhs_hint = false} : vector<1x8xf32>, vector<8x1xf32>, vector<1x1xf32> -> vector<1x1xf32>
    %add3A = arith.addf %dot_general3A_25, %dot_general3A_30 : vector<1x1xf32>
    %get3A_31 = arith.constant 0 : index
    %get3A_32 = arith.constant 0 : index
    %get3A_33 = vector.load %arg7[%get3A_31, %get3A_32] : memref<1x4xf32, #tpu.memory_space<vmem>>, vector<1x4xf32>
    %dot_general3A_34 = arith.constant dense<0.000000e+00> : vector<1x1xf32>
    %dot_general3A_35 = tpu.matmul %get3A_33, %dot_general3A_5, %dot_general3A_34 {dimension_numbers = #tpu.dot_dimension_numbers<[1], [0], [0], [1], [0, 0, 1, 1], [], []>, precision = #tpu.contract_precision<fp32>, transpose_lhs_hint = false} : vector<1x4xf32>, vector<4x1xf32>, vector<1x1xf32> -> vector<1x1xf32>
    %add3A_36 = arith.addf %add3A, %dot_general3A_35 : vector<1x1xf32>
    %get3A_37 = arith.constant 0 : index
    %get3A_38 = arith.constant 0 : index
    %get3A_39 = vector.load %arg8[%get3A_37, %get3A_38] : memref<1x2xf32, #tpu.memory_space<vmem>>, vector<1x2xf32>
    %dot_general3A_40 = arith.constant dense<0.000000e+00> : vector<1x1xf32>
    %dot_general3A_41 = tpu.matmul %get3A_39, %get3A_1, %dot_general3A_40 {dimension_numbers = #tpu.dot_dimension_numbers<[1], [0], [0], [1], [0, 0, 1, 1], [], []>, precision = #tpu.contract_precision<fp32>, transpose_lhs_hint = false} : vector<1x2xf32>, vector<2x1xf32>, vector<1x1xf32> -> vector<1x1xf32>
    %add3A_42 = arith.addf %add3A_36, %dot_general3A_41 : vector<1x1xf32>
    %get3A_43 = arith.constant 0 : index
    %get3A_44 = arith.constant 0 : index
    %get3A_45 = vector.load %arg9[%get3A_43, %get3A_44] : memref<1x1xf32, #tpu.memory_space<vmem>>, vector<1x1xf32>
    %add3A_46 = arith.addf %add3A_42, %get3A_45 : vector<1x1xf32>
    %iota3A = tpu.iota {dimensions = array<i32: 0>} : vector<848x1xi32>
    %eq3A = arith.constant 845 : i32
    %eq3A_47 = vector.broadcast %eq3A : i32 to vector<848x1xi32>
    %eq3A_48 = arith.cmpi eq, %iota3A, %eq3A_47 : vector<848x1xi32>
    %broadcast_in_dim3A = arith.constant 0.000000e+00 : f32
    %broadcast_in_dim3A_49 = vector.broadcast %broadcast_in_dim3A : f32 to vector<1x1xf32>
    %broadcast_in_dim3A_50 = vector.shape_cast %add3A_46 : vector<1x1xf32> to vector<1x1xf32>
    %broadcast_in_dim3A_51 = vector.broadcast %broadcast_in_dim3A_50 : vector<1x1xf32> to vector<848x1xf32>
    %broadcast_in_dim3A_52 = vector.shape_cast %broadcast_in_dim3A_49 : vector<1x1xf32> to vector<1x1xf32>
    %broadcast_in_dim3A_53 = vector.broadcast %broadcast_in_dim3A_52 : vector<1x1xf32> to vector<848x1xf32>
    %select_n3A = arith.select %eq3A_48, %broadcast_in_dim3A_51, %broadcast_in_dim3A_53 : vector<848x1xi1>, vector<848x1xf32>
    %add3A_54 = arith.addf %dot_general3A_20, %select_n3A : vector<848x1xf32>
    %swap3A = arith.constant 0 : index
    %swap3A_55 = arith.constant 0 : index
    %swap3A_56 = vector.load %arg10[%swap3A, %swap3A_55] : memref<848x1xf32, #tpu.memory_space<vmem>>, vector<848x1xf32>
    tpu.vector_store %arg10[%swap3A, %swap3A_55], %add3A_54 {strides = array<i32>} : memref<848x1xf32, #tpu.memory_space<vmem>>, vector<848x1xf32>,
    return
  }
}

</mosaic_0001>

<sc_bundles>
// kernel: kernel.4.cloned.1.call-start
scs
__scs_entry_jumppad:
0x0: {  	(pc) =	sbr.rel $0x88, $3  }
0x1: {  	(tag) =	ssettag $0x0;
	lr =	simm.s32 $0x1  }
0x2: {  	[smem:$0x3F94] =	sst lr;
	_ =	strace $0xD0000000  }
0x3: {  	_ = 	snop  }
0x4: {  	_ = 	snop  }
0x5: {  	_ = 	snop  }
0x6: {  	_ = 	snop  }
0x7: {  	_ = 	snop  }
__scs_overlays_trampoline_lowered:
0x8: {  	[smem:$0x3FA3] =	sst s0  }
0x9: {  	[smem:$0x3FA4] =	sst s1  }
0xa: {  	[smem:$0x3FA5] =	sst s2  }
0xb: {  	[smem:$0x3FA6] =	sst s3  }
0xc: {  	[smem:$0x3FA7] =	sst s4  }
0xd: {  	[smem:$0x3FA8] =	sst s5  }
0xe: {  	[smem:$0x3FA9] =	sst s6  }
0xf: {  	[smem:$0x3FAA] =	sst s7  }
0x10: {  	[smem:$0x3FAB] =	sst s8  }
0x11: {  	[smem:$0x3FAC] =	sst s9;
	s0 =	simm.s32 @!p0 $0x0  }
0x12: {  	s1 =	sld [smem:$0x3F92];
	s0 =	simm.s32 @p0 $0x1  }
0x13: {  	[smem:$0x3FAD] =	sst s0;
	s0 =	simm.s32 @!p1 $0x0  }
0x14: {  	s2 =	sld [smem:$0x3F91];
	s0 =	simm.s32 @p1 $0x1  }
0x15: {  	[smem:$0x3FAE] =	sst s0;
	s0 =	simm.s32 @!p2 $0x0  }
0x16: {  	s3 =	sld [smem:$0x3FDB];
	s0 =	simm.s32 @p2 $0x1  }
0x17: {  	s4 =	simm.s32 $0x1BF5;
	[smem:$0x3FB0] =	sst s0  }
0x18: {  	s0 =	sld [smem:$0x3F93];
	_ =	swait.ge [sflag:s4], $0x0  }
0x19: {  	s7 =	sld [smem:$0x3F94]  }
0x1a: {  	s8 =	sadd.s32 $0xFFFFE003, lr  }
0x1b: {  	s9 =	sadd.s32 $0xFFFFFEF7, lr;
	s5 =	simm.s32 $0xFFFFFFFF;
	p2 =	slt.u32 s8, $0xFFFFF086  }
0x1c: {  	p1 =	slt.u32 s9, $0xF7A;
	s5 =	simm.s32 @!p2 $0x0  }
0x1d: {  	s5 =	simm.s32 @p1 $0x1;
	p0 =	seq.s32 s7, s2  }
0x1e: {  	s7 =	smul.u32 @!p0 $0xF7A, s2;
	p2 =	seq.s32 @!p0 s5, $0x0  }
0x1f: {  	s9 =	smul.u32 $0xF7A, s1;
	s8 =	simm.s32 @!p0 $0x1BF5;
	p2 =	por !p2, p0  }
0x20: {  	[sflag:s8] =	ssyncset.s32 @!p0 $0xFFFFF086;
	s6 =	sadd.s32 @!p0 s3, s7;
	s7 =	simm.s32 @!p0 $0x108  }
0x21: {  	s3 =	sadd.s32 s3, s9;
	s6 =	sadd.s32 @!p0 $0x88, s6;
	s7 =	simm.s32 @p2 $0x1082  }
0x22: {  	[simem:s7], [sflag:s8] =	dma.local @!p0 [hbm:s6], $0xF7A  }
0x23: {  	s9 =	sor.u32 $0xD0000000, s2;
	s6 =	simm.s32 $0x108;
	_ =	swait.ge @!p0 [sflag:s8], $0x0  }
0x24: {  	s3 =	sadd.s32 $0x88, s3;
	s6 =	simm.s32 @!p1 $0x1082;
	[sflag:s4] =	ssyncset.s32 $0xFFFFF086  }
0x25: {  	[simem:s6], [sflag:s4] =	dma.local [hbm:s3], $0xF7A  }
0x26: {  	[smem:$0x3F94] =	sst s1;
	(tag) =	ssettag s2;
	_ =	strace s9  }
0x27: {  	s1 =	sld [smem:$0x3FA4]  }
0x28: {  	s2 =	sld [smem:$0x3FA5]  }
0x29: {  	s4 =	sld [smem:$0x3FA7]  }
0x2a: {  	p0 =	seq.s32 s5, $0x0;
	s5 =	sld [smem:$0x3FA8]  }
0x2b: {  	s6 =	sld [smem:$0x3FA9]  }
0x2c: {  	s7 =	sld [smem:$0x3FAA]  }
0x2d: {  	s3 =	simm.s32 $0x108;
	s8 =	sld [smem:$0x3FAB]  }
0x2e: {  	s3 =	simm.s32 @!p0 $0x1082;
	s9 =	sld [smem:$0x3FAC]  }
0x2f: {  	lr =	sadd.s32 s0, s3;
	s0 =	sld [smem:$0x3FA3]  }
0x30: {  	s3 =	sld [smem:$0x3FA6]  }
0x31: {  	[smem:$0x3FAF] =	sst s10  }
0x32: {  	s10 =	sld [smem:$0x3FAD];
	_ =	sdelay $0x3  }
0x33: {  	p0 =	seq.s32 s10, $0x1;
	s10 =	sld [smem:$0x3FAF];
	_ =	sdelay $0x3  }
0x34: {  	[smem:$0x3FAF] =	sst s10  }
0x35: {  	s10 =	sld [smem:$0x3FAE];
	_ =	sdelay $0x3  }
0x36: {  	p1 =	seq.s32 s10, $0x1;
	s10 =	sld [smem:$0x3FAF];
	_ =	sdelay $0x3  }
0x37: {  	[smem:$0x3FAF] =	sst s10  }
0x38: {  	s10 =	sld [smem:$0x3FB0]  }
0x39: {  	_ = 	snop;
	(pc) =	sbr.ind lr, $3  }
0x3a: {  	_ = 	snop  }
0x3b: {  	_ = 	snop  }
0x3c: {  	p2 =	seq.s32 s10, $0x1;
	s10 =	sld [smem:$0x3FAF]  }
0x3d: {  	_ =	shalt  }
0x3e: {  	_ =	shalt  }
0x3f: {  	_ =	shalt  }
0x40: {  	_ =	shalt  }
0x41: {  	_ =	shalt  }
0x42: {  	_ =	shalt  }
0x43: {  	_ =	shalt  }
0x44: {  	_ =	shalt  }
0x45: {  	_ =	shalt  }
0x46: {  	_ =	shalt  }
0x47: {  	_ =	shalt  }
0x48: {  	_ =	shalt  }
0x49: {  	_ =	shalt  }
0x4a: {  	_ =	shalt  }
0x4b: {  	_ =	shalt  }
0x4c: {  	_ =	shalt  }
0x4d: {  	_ =	shalt  }
0x4e: {  	_ =	shalt  }
0x4f: {  	_ =	shalt  }
0x50: {  	_ =	shalt  }
0x51: {  	_ =	shalt  }
0x52: {  	_ =	shalt  }
0x53: {  	_ =	shalt  }
0x54: {  	_ =	shalt  }
0x55: {  	_ =	shalt  }
0x56: {  	_ =	shalt  }
0x57: {  	_ =	shalt  }
0x58: {  	_ =	shalt  }
0x59: {  	_ =	shalt  }
0x5a: {  	_ =	shalt  }
0x5b: {  	_ =	shalt  }
0x5c: {  	_ =	shalt  }
0x5d: {  	_ =	shalt  }
0x5e: {  	_ =	shalt  }
0x5f: {  	_ =	shalt  }
0x60: {  	_ =	shalt  }
0x61: {  	_ =	shalt  }
0x62: {  	_ =	shalt  }
0x63: {  	_ =	shalt  }
0x64: {  	_ =	shalt  }
0x65: {  	_ =	shalt  }
0x66: {  	_ =	shalt  }
0x67: {  	_ =	shalt  }
0x68: {  	_ =	shalt  }
0x69: {  	_ =	shalt  }
0x6a: {  	_ =	shalt  }
0x6b: {  	_ =	shalt  }
0x6c: {  	_ =	shalt  }
0x6d: {  	_ =	shalt  }
0x6e: {  	_ =	shalt  }
0x6f: {  	_ =	shalt  }
0x70: {  	_ =	shalt  }
0x71: {  	_ =	shalt  }
0x72: {  	_ =	shalt  }
0x73: {  	_ =	shalt  }
0x74: {  	_ =	shalt  }
0x75: {  	_ =	shalt  }
0x76: {  	_ =	shalt  }
0x77: {  	_ =	shalt  }
0x78: {  	_ =	shalt  }
0x79: {  	_ =	shalt  }
0x7a: {  	_ =	shalt  }
0x7b: {  	_ =	shalt  }
0x7c: {  	_ =	shalt  }
0x7d: {  	_ =	shalt  }
0x7e: {  	_ =	shalt  }
0x7f: {  	_ =	shalt  }
0x80: {  	_ =	shalt  }
0x81: {  	_ =	shalt  }
0x82: {  	_ =	shalt  }
0x83: {  	_ =	shalt  }
0x84: {  	_ =	shalt  }
0x85: {  	_ =	shalt  }
0x86: {  	_ =	shalt  }
0x87: {  	_ =	shalt  }
.Lfunc_end0:
.L_simem_size_0:
called_computation_lowered:
.L_overlay_start_0:
0x88: {  	s2 =	sld [smem:$0x3FD9]  }
0x89: {  	s3 =	sld [smem:$0x3FFE];
	_ =	sdelay $0x1  }
0x8a: {  	s1 =	srdreg.scid  }
0x8b: {  	s0 =	sand.u32 $0x1, s1  }
0x8c: {  	s17 =	sshll.u32 s0, $0xA;
	s2 =	sadd.s32 s3, s2  }
0x8d: {  	s2 =	sadd.s32 s2, s17  }
0x8e: {  	[smem:$0x3FBB] =	sst s2  }
0x8f: {  	_ = 	snop  }
0x90: {  	s2 =	sld [smem:$0x3FD0];
	(tm) =	ssettm $0x1  }
0x91: {  	s18 =	sld [smem:$0x3FFB];
	_ =	sdelay $0x3  }
0x92: {  	_ =	strace s18  }
0x93: {  	s3 =	sld [smem:$0x3FFC];
	_ =	sdelay $0x3  }
0x94: {  	_ =	strace s3  }
0x95: {  	s3 =	sld [smem:$0x3FFD];
	_ =	sdelay $0x3  }
0x96: {  	_ =	strace s3  }
0x97: {  	_ =	strace $0x8FFFFFFF  }
0x98: {  	s19 =	sld [smem:$0x3FDB];
	_ =	sdelay $0x1  }
0x99: {  	s4 =	simm.s32 $_scs_section_size  }
0x9a: {  	s5 =	simm.s32 $_size__tile_overlayer_lowered;
	s6 =	simm.s32 $_tile_overlayer_lowered  }
0x9b: {  	s22 =	simm.s32 $0x1BFF;
	s21 =	sshll.u32 s6, $0x1;
	s3 =	sadd.s32 s4, s19  }
0x9c: {  	s7 =	simm.s32 $0x0;
	s20 =	sshll.u32 s5, $0x1;
	s5 =	sadd.s32 s21, s3  }
0x9d: {  	[timem:s7], [sflag:s22] =	dma.local [hbm:s5], s20  }
0x9e: {  	_ =	swait.ge [sflag:s22], s20  }
0x9f: {  	s4 =	ssub.s32 $0x0, s20;
	[sflag:s22] =	ssyncset.done $0x0  }
0xa0: {  	[sflag:s22] =	ssyncadd.s32 s4;
	_ =	sdelay $0x1  }
0xa1: {  	s23 =	simm.s32 $0x1B8B  }
0xa2: {  	_ =	swait.ge [sflag:s23], $0x1  }
0xa3: {  	[sflag:s23] =	ssyncset.done $0x0  }
0xa4: {  	s25 =	simm.s32 $0x1B8E;
	s24 =	sld [smem:$0x3FFE];
	[sflag:s23] =	ssyncadd.s32 $0xFFFFFFFF  }
0xa5: {  	s26 =	simm.s32 $execute0_lowered;
	[smem:$0x3FD2] =	sst s25  }
0xa6: {  	s5 =	sshll.u32 s26, $0x1;
	_ =	strace $0x80000046;
	[dreg:$0x1] =	wrdreg $0xFFFFFFFF  }
0xa7: {  	s28 =	simm.s32 $_size_execute0_lowered;
	s3 =	sadd.s32 s3, s5;
	[dreg:$0x0] =	wrdreg $0x0  }
0xa8: {  	s5 =	sshll.u32 s28, $0x1;
	[dreg:$0x2] =	wrdreg s3  }
0xa9: {  	[dreg:$0x3] =	wrdreg s5  }
0xaa: {  	[dreg:$0x4] =	wrdreg $0xC0  }
0xab: {  	_ =	task [dreg:s7], $0x5FFFF  }
0xac: {  	[dreg:$0x1] =	wrdreg $0xFFFFFFFF  }
0xad: {  	[dreg:$0x0] =	wrdreg $0x60  }
0xae: {  	[dreg:$0x2] =	wrdreg s24  }
0xaf: {  	[dreg:$0x3] =	wrdreg s2  }
0xb0: {  	[dreg:$0x4] =	wrdreg $0x9  }
0xb1: {  	_ =	task.clear_ibuf [dreg:s7], $0x5FFFF;
	_ =	strace $0x90000046  }
0xb2: {  	s29 =	simm.s32 $0x9;
	_ =	strace $0x80000048  }
0xb3: {  	_ =	swait.ge [sflag:s29], $0x1  }
0xb4: {  	[sflag:s29] =	ssyncadd.s32 $0xFFFFFFFF  }
0xb5: {  	_ =	strace $0x90000048  }
0xb6: {  	_ =	sfence  }
0xb7: {  	s30 =	sld [smem:$0x0];
	_ =	sdelay $0x2  }
0xb8: {  	s31 =	sshll.u32 s1, $0xD;
	s1 =	sshrl.u32 s1, $0x2  }
0xb9: {  	s3 =	sand.u32 $0x4000, s31;
	s1 =	sadd.s32 s1, s30  }
0xba: {  	s0 =	sor.u32 s3, s0;
	s1 =	sshll.u32 s1, $0x11  }
0xbb: {  	s0 =	sor.u32 s1, s0  }
0xbc: {  	s0 =	sadd.s32 $0x8F2B, s0  }
0xbd: {  	[sflag:s0] =	ssyncadd.remote.s32 $0x1  }
0xbe: {  	_ =	sfence.sel $0xFFFF  }
0xbf: {  	[dreg:$0x0] =	wrdreg $0xFFFFFFFF;
	(pc) =	sbr.abs _section_cstart, $3  }
0xc0: {  	[dreg:$0x1] =	wrdreg $0xFFFFFFFF  }
0xc1: {  	_ =	task.clear_ibuf [dreg:s7], $0x2FFFF;
	_ =	strace $0x9FFFFFFF  }
0xc2: {  	(tm) =	ssettm $0x7FFFFFFF  }
0xc3: {  	_ =	shalt  }
tec
execute0_lowered:
.L_overlay_start_1:
0x0: {  	(tag) =	ssettag $0x1  }
0x1: {  	s0 =	rddreg [dreg:$0x0]  }
0x2: {  	s1 =	rddreg [dreg:$0x1]  }
0x3: {  	s3 =	srdreg.scid;
	s4 =	stileid.u32;
	s2 =	simm.s32 $0x0  }
0x4: {  	s10 =	simm.s32 $0x2;
	s11 =	simm.s32 $0x40;
	s13 =	simm.s32 $0x1000  }
0x5: {  	s23 =	simm.s32 $0xB000;
	s24 =	simm.s32 $0xB00;
	s25 =	simm.s32 $0xD000  }
0x6: {  	s28 =	simm.s32 $0xF000;
	s29 =	simm.s32 $0xC00;
	s30 =	simm.s32 $0x11000  }
0x7: {  	s31 =	simm.s32 $0xC80;
	s9 =	simm.s32 $0x15000;
	s12 =	simm.s32 $0x19000  }
0x8: {  	s14 =	simm.s32 $0x80;
	s15 =	simm.s32 $0x400;
	s16 =	simm.s32 $0x1B000  }
0x9: {  	s17 =	simm.s32 $0x1;
	s3 =	sand.u32 $0x1, s3;
	s4 =	sshll.u32 s4, $0x1  }
0xa: {  	s19 =	simm.s32 $0x0;
	[smem:$0x7FF] =	sst s2;
	s4 =	sor.u32 s3, s4  }
0xb: {  	_ =	strace $0x80000047;
	s7 =	ssub.s32 $0x2, s3;
	s3 =	sadd.s32 $0xF43A00, s0  }
0xc: {  	s5 =	sshll.u32 s4, $0xC;
	s6 =	sshll.u32 s4, $0xA;
	s8 =	sshrl.u32 s7, $0x1  }
0xd: {  	s4 =	sshll.u32 s4, $0x6;
	s5 =	sadd.s32 s5, s0;
	s6 =	sadd.s32 s6, s0  }
0xe: {  	s0 =	sadd.s32 $0x29600, s0;
	s26 =	ssub.s32 s7, s8;
	s1 =	sadd.s32 s1, s4  }
0xf: {  	s4 =	simm.s32 $0xD80;
	s7 =	simm.s32 $0x17000;
	s8 =	simm.s32 $0xE00  }
0x10: {  	[dreg:$0x3] =	wrdreg s0;
	s5 =	sadd.s32 $0x1600, s5;
	s6 =	sadd.s32 $0x21600, s6  }
0x11: {  	[dreg:$0x4] =	wrdreg s1;
	s0 =	smax.u32 s26, $0x1;
	s26 =	simm.s32 $0xB80  }
0x12: {  	v0 =	vlaneseq.u32;
	s1 =	simm.s32 $0xD00;
	[dreg:$0x5] =	wrdreg s0;
	s0 =	simm.s32 $0x13000  }
.LBB2_1:
0x13: {  	[dreg:$0x6] =	wrdreg s19  }
0x14: {  	s18 =	rddreg [dreg:$0x3];
	s22 =	simm.s32 $0x1B200  }
0x15: {  	[tilespmem:s22], [sflag:$0x2] =	stream.linear.gather [hbm4b:s18+s2], $0x380, $0x38;
	[tilespmem:$0x1B780] =	vst v63  }
0x16: {  	_ =	swait.ge [sflag:s10], $0x380  }
0x17: {  	[sflag:s10] =	ssyncset.done $0x0  }
0x18: {  	s18 =	simm.s32 $0x0;
	[sflag:s10] =	ssyncadd.s32 $0xFFFFFC80  }
.LBB2_2:
0x19: {  	s19 =	sshll.u32 s18, $0x8  }
0x1a: {  	s20 =	sadd.s32 s19, s5;
	s19 =	simm.s32 $0x0  }
0x1b: {  	[tilespmem:s19], [sflag:$0x2] =	stream.linear.gather [hbm4b:s20+s19], $0x680, $0x38;
	[tilespmem:$0x1B780] =	vst v63  }
0x1c: {  	_ =	swait.ge [sflag:s10], $0x680  }
0x1d: {  	[sflag:s10] =	ssyncset.done $0x0  }
0x1e: {  	[sflag:s10] =	ssyncadd.s32 $0xFFFFF980  }
0x1f: {  	v1 =	vld [tilespmem:$0x0]  }
0x20: {  	v2 =	vld [tilespmem:$0x10]  }
0x21: {  	v3 =	vld [tilespmem:$0x20]  }
0x22: {  	v4 =	vld [tilespmem:$0x30]  }
0x23: {  	v5 =	vld [tilespmem:$0x80]  }
0x24: {  	v6 =	vld [tilespmem:$0x90];
	v1 =	vshra.s32 v1, $0x2  }
0x25: {  	[tilespmem:$0x800] =	vst v1;
	v1 =	vshra.s32 v2, $0x2;
	v2 =	vld [tilespmem:$0xA0]  }
0x26: {  	[tilespmem:$0x810] =	vst v1;
	v1 =	vshra.s32 v3, $0x2;
	v3 =	vld [tilespmem:$0xB0]  }
0x27: {  	[tilespmem:$0x820] =	vst v1;
	v1 =	vshra.s32 v4, $0x2;
	v4 =	vld [tilespmem:$0x100]  }
0x28: {  	[tilespmem:$0x830] =	vst v1;
	v1 =	vshra.s32 v5, $0x2;
	v5 =	vld [tilespmem:$0x110]  }
0x29: {  	[tilespmem:$0x880] =	vst v1;
	v1 =	vshra.s32 v6, $0x2;
	v6 =	vld [tilespmem:$0x120]  }
0x2a: {  	[tilespmem:$0x890] =	vst v1;
	v1 =	vshra.s32 v2, $0x2;
	v2 =	vld [tilespmem:$0x130]  }
0x2b: {  	[tilespmem:$0x8A0] =	vst v1;
	v1 =	vshra.s32 v3, $0x2;
	v3 =	vld [tilespmem:$0x180]  }
0x2c: {  	[tilespmem:$0x8B0] =	vst v1;
	v1 =	vshra.s32 v4, $0x2;
	v4 =	vld [tilespmem:$0x190]  }
0x2d: {  	[tilespmem:$0x900] =	vst v1;
	v1 =	vshra.s32 v5, $0x2;
	v5 =	vld [tilespmem:$0x1A0]  }
0x2e: {  	[tilespmem:$0x910] =	vst v1;
	v1 =	vshra.s32 v6, $0x2;
	v6 =	vld [tilespmem:$0x1B0]  }
0x2f: {  	[tilespmem:$0x920] =	vst v1;
	v1 =	vshra.s32 v2, $0x2;
	v2 =	vld [tilespmem:$0x200]  }
0x30: {  	[tilespmem:$0x930] =	vst v1;
	v1 =	vshra.s32 v3, $0x2;
	v3 =	vld [tilespmem:$0x210]  }
0x31: {  	[tilespmem:$0x980] =	vst v1;
	v1 =	vshra.s32 v4, $0x2;
	v4 =	vld [tilespmem:$0x220]  }
0x32: {  	[tilespmem:$0x990] =	vst v1;
	v1 =	vshra.s32 v5, $0x2;
	v5 =	vld [tilespmem:$0x230]  }
0x33: {  	[tilespmem:$0x9A0] =	vst v1;
	v1 =	vshra.s32 v6, $0x2;
	v6 =	vld [tilespmem:$0x280]  }
0x34: {  	[tilespmem:$0x9B0] =	vst v1;
	v1 =	vshra.s32 v2, $0x2;
	v2 =	vld [tilespmem:$0x290]  }
0x35: {  	[tilespmem:$0xA00] =	vst v1;
	v1 =	vshra.s32 v3, $0x2;
	v3 =	vld [tilespmem:$0x2A0]  }
0x36: {  	[tilespmem:$0xA10] =	vst v1;
	v1 =	vshra.s32 v4, $0x2;
	v4 =	vld [tilespmem:$0x2B0]  }
0x37: {  	[tilespmem:$0xA20] =	vst v1;
	v1 =	vshra.s32 v5, $0x2;
	v5 =	vld [tilespmem:$0x300]  }
0x38: {  	[tilespmem:$0xA30] =	vst v1;
	v1 =	vshra.s32 v6, $0x2;
	v6 =	vld [tilespmem:$0x310]  }
0x39: {  	[tilespmem:$0xA80] =	vst v1;
	v1 =	vshra.s32 v2, $0x2;
	v2 =	vld [tilespmem:$0x320]  }
0x3a: {  	[tilespmem:$0xA90] =	vst v1;
	v1 =	vshra.s32 v3, $0x2;
	v3 =	vld [tilespmem:$0x330]  }
0x3b: {  	[tilespmem:$0xAA0] =	vst v1;
	v1 =	vshra.s32 v4, $0x2;
	v4 =	vld [tilespmem:$0x380]  }
0x3c: {  	[tilespmem:$0xAB0] =	vst v1;
	v1 =	vshra.s32 v5, $0x2;
	v5 =	vld [tilespmem:$0x390]  }
0x3d: {  	[tilespmem:$0xB00] =	vst v1;
	v1 =	vshra.s32 v6, $0x2;
	v6 =	vld [tilespmem:$0x3A0]  }
0x3e: {  	[tilespmem:$0xB10] =	vst v1;
	v1 =	vshra.s32 v2, $0x2;
	v2 =	vld [tilespmem:$0x3B0]  }
0x3f: {  	[tilespmem:$0xB20] =	vst v1;
	v1 =	vshra.s32 v3, $0x2;
	v3 =	vld [tilespmem:$0x400]  }
0x40: {  	[tilespmem:$0xB30] =	vst v1;
	v1 =	vshra.s32 v4, $0x2;
	v4 =	vld [tilespmem:$0x410]  }
0x41: {  	[tilespmem:$0xB80] =	vst v1;
	v1 =	vshra.s32 v5, $0x2;
	v5 =	vld [tilespmem:$0x420]  }
0x42: {  	[tilespmem:$0xB90] =	vst v1;
	v1 =	vshra.s32 v6, $0x2;
	v6 =	vld [tilespmem:$0x430]  }
0x43: {  	[tilespmem:$0xBA0] =	vst v1;
	v1 =	vshra.s32 v2, $0x2;
	v2 =	vld [tilespmem:$0x480]  }
0x44: {  	[tilespmem:$0xBB0] =	vst v1;
	v1 =	vshra.s32 v3, $0x2;
	v3 =	vld [tilespmem:$0x490]  }
0x45: {  	[tilespmem:$0xC00] =	vst v1;
	v1 =	vshra.s32 v4, $0x2;
	v4 =	vld [tilespmem:$0x4A0]  }
0x46: {  	[tilespmem:$0xC10] =	vst v1;
	v1 =	vshra.s32 v5, $0x2;
	v5 =	vld [tilespmem:$0x4B0]  }
0x47: {  	[tilespmem:$0xC20] =	vst v1;
	v1 =	vshra.s32 v6, $0x2;
	v6 =	vld [tilespmem:$0x500]  }
0x48: {  	[tilespmem:$0xC30] =	vst v1;
	v1 =	vshra.s32 v2, $0x2;
	v2 =	vld [tilespmem:$0x510]  }
0x49: {  	[tilespmem:$0xC80] =	vst v1;
	v1 =	vshra.s32 v3, $0x2;
	v3 =	vld [tilespmem:$0x520]  }
0x4a: {  	[tilespmem:$0xC90] =	vst v1;
	v1 =	vshra.s32 v4, $0x2;
	v4 =	vld [tilespmem:$0x530]  }
0x4b: {  	[tilespmem:$0xCA0] =	vst v1;
	v1 =	vshra.s32 v5, $0x2;
	v5 =	vld [tilespmem:$0x580]  }
0x4c: {  	[tilespmem:$0xCB0] =	vst v1;
	v1 =	vshra.s32 v6, $0x2;
	v6 =	vld [tilespmem:$0x590]  }
0x4d: {  	[tilespmem:$0xD00] =	vst v1;
	v1 =	vshra.s32 v2, $0x2;
	v2 =	vld [tilespmem:$0x5A0]  }
0x4e: {  	[tilespmem:$0xD10] =	vst v1;
	v1 =	vshra.s32 v3, $0x2;
	v3 =	vld [tilespmem:$0x5B0]  }
0x4f: {  	[tilespmem:$0xD20] =	vst v1;
	v1 =	vshra.s32 v4, $0x2;
	v4 =	vld [tilespmem:$0x600]  }
0x50: {  	[tilespmem:$0xD30] =	vst v1;
	v1 =	vshra.s32 v5, $0x2;
	v5 =	vld [tilespmem:$0x610]  }
0x51: {  	[tilespmem:$0xD80] =	vst v1;
	v1 =	vshra.s32 v6, $0x2;
	v6 =	vld [tilespmem:$0x620]  }
0x52: {  	[tilespmem:$0xD90] =	vst v1;
	v1 =	vshra.s32 v2, $0x2;
	v2 =	vld [tilespmem:$0x630]  }
0x53: {  	[tilespmem:$0xDA0] =	vst v1;
	v1 =	vshra.s32 v3, $0x2  }
0x54: {  	[tilespmem:$0xDB0] =	vst v1;
	v1 =	vshra.s32 v4, $0x2  }
0x55: {  	[tilespmem:$0xE00] =	vst v1;
	v1 =	vshra.s32 v5, $0x2  }
0x56: {  	[tilespmem:$0xE10] =	vst v1;
	v1 =	vshra.s32 v6, $0x2  }
0x57: {  	[tilespmem:$0xE20] =	vst v1;
	v1 =	vshra.s32 v2, $0x2  }
0x58: {  	s21 =	simm.s32 $0x800;
	[tilespmem:$0xE30] =	vst v1  }
0x59: {  	[tilespmem:s13], [sflag:$0x1] =	stream.indirect.gather [hbm4b:s3+s11], $0x80, s21, s11, $0xb8;
	[tilespmem:$0x1B780] =	vst v63  }
0x5a: {  	s22 =	simm.s32 $0x880;
	s21 =	simm.s32 $0x3000  }
0x5b: {  	[tilespmem:s21], [sflag:$0x1] =	stream.indirect.gather [hbm4b:s3+s11], $0x80, s22, s11, $0xb8;
	[tilespmem:$0x1B780] =	vst v63  }
0x5c: {  	s21 =	simm.s32 $0x900;
	s22 =	simm.s32 $0x5000  }
0x5d: {  	[tilespmem:s22], [sflag:$0x1] =	stream.indirect.gather [hbm4b:s3+s11], $0x80, s21, s11, $0xb8;
	[tilespmem:$0x1B780] =	vst v63  }
0x5e: {  	s21 =	simm.s32 $0x980;
	s22 =	simm.s32 $0x7000  }
0x5f: {  	[tilespmem:s22], [sflag:$0x1] =	stream.indirect.gather [hbm4b:s3+s11], $0x80, s21, s11, $0xb8;
	[tilespmem:$0x1B780] =	vst v63  }
0x60: {  	s21 =	simm.s32 $0xA00;
	s22 =	simm.s32 $0x9000  }
0x61: {  	[tilespmem:s22], [sflag:$0x1] =	stream.indirect.gather [hbm4b:s3+s11], $0x80, s21, s11, $0xb8;
	[tilespmem:$0x1B780] =	vst v63  }
0x62: {  	s22 =	simm.s32 $0xA80  }
0x63: {  	[tilespmem:s23], [sflag:$0x1] =	stream.indirect.gather [hbm4b:s3+s11], $0x80, s22, s11, $0xb8;
	[tilespmem:$0x1B780] =	vst v63  }
0x64: {  	_ = 	snop  }
0x65: {  	[tilespmem:s25], [sflag:$0x1] =	stream.indirect.gather [hbm4b:s3+s11], $0x80, s24, s11, $0xb8;
	[tilespmem:$0x1B780] =	vst v63  }
0x66: {  	_ = 	snop  }
0x67: {  	[tilespmem:s28], [sflag:$0x1] =	stream.indirect.gather [hbm4b:s3+s11], $0x80, s26, s11, $0xb8;
	[tilespmem:$0x1B780] =	vst v63  }
0x68: {  	_ = 	snop  }
0x69: {  	[tilespmem:s30], [sflag:$0x1] =	stream.indirect.gather [hbm4b:s3+s11], $0x80, s29, s11, $0xb8;
	[tilespmem:$0x1B780] =	vst v63  }
0x6a: {  	_ = 	snop  }
0x6b: {  	[tilespmem:s0], [sflag:$0x1] =	stream.indirect.gather [hbm4b:s3+s11], $0x80, s31, s11, $0xb8;
	[tilespmem:$0x1B780] =	vst v63  }
0x6c: {  	s21 =	sshll.u32 s18, $0x6  }
0x6d: {  	[tilespmem:s9], [sflag:$0x1] =	stream.indirect.gather [hbm4b:s3+s11], $0x80, s1, s11, $0xb8;
	[tilespmem:$0x1B780] =	vst v63  }
0x6e: {  	s20 =	sand.u32 $0x200, s21;
	s22 =	sshll.u32 s18, $0x4  }
0x6f: {  	[tilespmem:s7], [sflag:$0x1] =	stream.indirect.gather [hbm4b:s3+s11], $0x80, s4, s11, $0xb8;
	[tilespmem:$0x1B780] =	vst v63  }
0x70: {  	s20 =	sadd.s32 s20, s6;
	s21 =	sand.u32 $0x70, s22  }
0x71: {  	[tilespmem:s12], [sflag:$0x1] =	stream.indirect.gather [hbm4b:s3+s11], $0x80, s8, s11, $0xb8;
	[tilespmem:$0x1B780] =	vst v63  }
0x72: {  	s20 =	sadd.s32 s21, s20  }
0x73: {  	[tilespmem:s16], [sflag:$0x2] =	stream.strided.gather [hbm4b:s20+s14], $0x200, s15, s14, $0x38;
	[tilespmem:$0x1B780] =	vst v63  }
0x74: {  	_ =	swait.ge [sflag:s10], $0x200  }
0x75: {  	[sflag:s10] =	ssyncset.done $0x0  }
0x76: {  	[sflag:s10] =	ssyncadd.s32 $0xFFFFFE00  }
0x77: {  	_ =	swait.ge [sflag:s17], $0x2000  }
0x78: {  	[sflag:s17] =	ssyncset.done $0x0  }
0x79: {  	[sflag:s17] =	ssyncadd.s32 $0xFFFFE000  }
0x7a: {  	_ =	swait.ge [sflag:s17], $0x2000  }
0x7b: {  	[sflag:s17] =	ssyncset.done $0x0  }
0x7c: {  	[sflag:s17] =	ssyncadd.s32 $0xFFFFE000  }
0x7d: {  	_ =	swait.ge [sflag:s17], $0x2000  }
0x7e: {  	[sflag:s17] =	ssyncset.done $0x0  }
0x7f: {  	[sflag:s17] =	ssyncadd.s32 $0xFFFFE000  }
0x80: {  	_ =	swait.ge [sflag:s17], $0x2000  }
0x81: {  	[sflag:s17] =	ssyncset.done $0x0  }
0x82: {  	[sflag:s17] =	ssyncadd.s32 $0xFFFFE000  }
0x83: {  	_ =	swait.ge [sflag:s17], $0x2000  }
0x84: {  	[sflag:s17] =	ssyncset.done $0x0  }
0x85: {  	[sflag:s17] =	ssyncadd.s32 $0xFFFFE000  }
0x86: {  	_ =	swait.ge [sflag:s17], $0x2000  }
0x87: {  	[sflag:s17] =	ssyncset.done $0x0  }
0x88: {  	[sflag:s17] =	ssyncadd.s32 $0xFFFFE000  }
0x89: {  	_ =	swait.ge [sflag:s17], $0x2000  }
0x8a: {  	[sflag:s17] =	ssyncset.done $0x0  }
0x8b: {  	[sflag:s17] =	ssyncadd.s32 $0xFFFFE000  }
0x8c: {  	_ =	swait.ge [sflag:s17], $0x2000  }
0x8d: {  	[sflag:s17] =	ssyncset.done $0x0  }
0x8e: {  	[sflag:s17] =	ssyncadd.s32 $0xFFFFE000  }
0x8f: {  	_ =	swait.ge [sflag:s17], $0x2000  }
0x90: {  	[sflag:s17] =	ssyncset.done $0x0  }
0x91: {  	[sflag:s17] =	ssyncadd.s32 $0xFFFFE000  }
0x92: {  	_ =	swait.ge [sflag:s17], $0x2000  }
0x93: {  	[sflag:s17] =	ssyncset.done $0x0  }
0x94: {  	[sflag:s17] =	ssyncadd.s32 $0xFFFFE000  }
0x95: {  	_ =	swait.ge [sflag:s17], $0x2000  }
0x96: {  	[sflag:s17] =	ssyncset.done $0x0  }
0x97: {  	[sflag:s17] =	ssyncadd.s32 $0xFFFFE000  }
0x98: {  	_ =	swait.ge [sflag:s17], $0x2000  }
0x99: {  	[sflag:s17] =	ssyncset.done $0x0  }
0x9a: {  	[sflag:s17] =	ssyncadd.s32 $0xFFFFE000  }
0x9b: {  	_ =	swait.ge [sflag:s17], $0x2000  }
0x9c: {  	[sflag:s17] =	ssyncset.done $0x0  }
0x9d: {  	[sflag:s17] =	ssyncadd.s32 $0xFFFFE000  }
0x9e: {  	v14 =	vld [tilespmem:$0x1B540];
	_ =	sdelay $0x4  }
0x9f: {  	v1 =	vbroadcast v14, $0xD;
	v2 =	vbroadcast v14, $0x0  }
0xa0: {  	v3 =	vbroadcast v14, $0x1;
	v4 =	vbroadcast v14, $0x2  }
0xa1: {  	v5 =	vbroadcast v14, $0x3;
	v6 =	vbroadcast v14, $0x4  }
0xa2: {  	s22 =	sshll.u32 s18, $0x5;
	v7 =	vbroadcast v14, $0x5;
	v8 =	vbroadcast v14, $0x6  }
0xa3: {  	s20 =	sand.u32 $0x3FFFFFE0, s22;
	v9 =	vbroadcast v14, $0x7;
	v10 =	vbroadcast v14, $0x8  }
0xa4: {  	s20 =	sadd.s32 $0x1B580, s20;
	v11 =	vbroadcast v14, $0x9;
	v12 =	vbroadcast v14, $0xA  }
0xa5: {  	p1 =	por $0x1, $0x1;
	v15 =	vmov s20;
	s20 =	simm.s32 $0x0;
	v13 =	vbroadcast v14, $0xB;
	v14 =	vbroadcast v14, $0xC  }
.LBB2_3:
0xa6: {  	v16 =	vor.u32 s20, v0  }
0xa7: {  	v18 =	vmul.u32 $0x1A, v16;
	_ =	sdelay $0x1  }
0xa8: {  	v17 =	vadd.s32 s19, v18  }
0xa9: {  	v19 =	vshll.u32 v17, $0x1  }
0xaa: {  	v20 =	vand.u32 $0x3F, v17;
	v19 =	vand.u32 $0x7FFFFF80, v19  }
0xab: {  	v19 =	vor.u32 v20, v19;
	_ =	sdelay $0x4  }
0xac: {  	v19 =	vld.idx.msk [tilespmem:v19+s2+$0x0], $0xffff;
	_ =	sdelay $0x4  }
0xad: {  	v19 =	vshll.u32 v19, $0x5  }
0xae: {  	v17 =	vshll.u32 v17, $0x7;
	v19 =	vand.u32 $0x60, v19  }
0xaf: {  	v17 =	vor.u32 v17, v19;
	_ =	sdelay $0x1  }
0xb0: {  	s21 =	simm.s32 $0x1B210;
	v19 =	vor.u32 $0x1, v17  }
0xb1: {  	v20 =	vld [tilespmem:s21+$0xFFFFFFF0]  }
0xb2: {  	v21 =	vor.u32 $0x2, v17  }
0xb3: {  	v22 =	vld.idx.msk [tilespmem:v17+s13+$0x0], $0xffff  }
0xb4: {  	v23 =	vor.u32 $0x3, v17  }
0xb5: {  	v19 =	vld.idx.msk [tilespmem:v19+s13+$0x0], $0xffff  }
0xb6: {  	v25 =	vbroadcast v20, $0x0;
	v24 =	vor.u32 $0x4, v17  }
0xb7: {  	v21 =	vld.idx.msk [tilespmem:v21+s13+$0x0], $0xffff  }
0xb8: {  	v26 =	vor.u32 $0x5, v17;
	v22 =	vmul.f32 v22, v25;
	v25 =	vbroadcast v20, $0x1  }
0xb9: {  	v27 =	vor.u32 $0x6, v17;
	v23 =	vld.idx.msk [tilespmem:v23+s13+$0x0], $0xffff  }
0xba: {  	v22 =	vadd.f32 v22, v1;
	v19 =	vmul.f32 v19, v25;
	v25 =	vbroadcast v20, $0x2  }
0xbb: {  	v28 =	vor.u32 $0x7, v17;
	v24 =	vld.idx.msk [tilespmem:v24+s13+$0x0], $0xffff  }
0xbc: {  	v19 =	vadd.f32 v19, v22;
	v21 =	vmul.f32 v21, v25;
	v22 =	vbroadcast v20, $0x3  }
0xbd: {  	v25 =	vld.idx.msk [tilespmem:v26+s13+$0x0], $0xffff;
	v26 =	vor.u32 $0x8, v17  }
0xbe: {  	v19 =	vadd.f32 v21, v19;
	v21 =	vmul.f32 v23, v22;
	v22 =	vbroadcast v20, $0x4  }
0xbf: {  	v23 =	vld.idx.msk [tilespmem:v27+s13+$0x0], $0xffff;
	v27 =	vor.u32 $0x9, v17  }
0xc0: {  	v19 =	vadd.f32 v21, v19;
	v21 =	vmul.f32 v24, v22;
	v22 =	vbroadcast v20, $0x5  }
0xc1: {  	v24 =	vld.idx.msk [tilespmem:v28+s13+$0x0], $0xffff;
	v28 =	vor.u32 $0xA, v17  }
0xc2: {  	v19 =	vadd.f32 v21, v19;
	v21 =	vmul.f32 v25, v22;
	v22 =	vbroadcast v20, $0x6  }
0xc3: {  	v25 =	vld.idx.msk [tilespmem:v26+s13+$0x0], $0xffff;
	v26 =	vor.u32 $0xB, v17  }
0xc4: {  	v19 =	vadd.f32 v21, v19;
	v21 =	vmul.f32 v23, v22;
	v22 =	vbroadcast v20, $0x7  }
0xc5: {  	v23 =	vld.idx.msk [tilespmem:v27+s13+$0x0], $0xffff;
	v27 =	vor.u32 $0xC, v17  }
0xc6: {  	v19 =	vadd.f32 v21, v19;
	v21 =	vmul.f32 v24, v22;
	v22 =	vbroadcast v20, $0x8  }
0xc7: {  	v24 =	vld.idx.msk [tilespmem:v28+s13+$0x0], $0xffff;
	v28 =	vor.u32 $0xD, v17  }
0xc8: {  	v19 =	vadd.f32 v21, v19;
	v21 =	vmul.f32 v25, v22;
	v22 =	vbroadcast v20, $0x9  }
0xc9: {  	v25 =	vld.idx.msk [tilespmem:v26+s13+$0x0], $0xffff;
	v26 =	vor.u32 $0xE, v17  }
0xca: {  	v19 =	vadd.f32 v21, v19;
	v21 =	vmul.f32 v23, v22;
	v22 =	vbroadcast v20, $0xA  }
0xcb: {  	v23 =	vld.idx.msk [tilespmem:v27+s13+$0x0], $0xffff  }
0xcc: {  	v19 =	vadd.f32 v21, v19;
	v21 =	vmul.f32 v24, v22;
	v22 =	vbroadcast v20, $0xB  }
0xcd: {  	v27 =	vor.u32 $0xF, v17;
	v24 =	vld.idx.msk [tilespmem:v28+s13+$0x0], $0xffff;
	v28 =	vor.u32 $0x10, v17  }
0xce: {  	v19 =	vadd.f32 v21, v19;
	v21 =	vmul.f32 v25, v22;
	v22 =	vbroadcast v20, $0xC  }
0xcf: {  	v25 =	vld.idx.msk [tilespmem:v26+s13+$0x0], $0xffff;
	v26 =	vor.u32 $0x11, v17  }
0xd0: {  	v21 =	vadd.f32 v21, v19;
	v22 =	vmul.f32 v23, v22;
	v23 =	vbroadcast v20, $0xD  }
0xd1: {  	v19 =	vld [tilespmem:s21+$0x0]  }
0xd2: {  	v27 =	vld.idx.msk [tilespmem:v27+s13+$0x0], $0xffff;
	v21 =	vadd.f32 v22, v21;
	v22 =	vmul.f32 v24, v23;
	v23 =	vbroadcast v20, $0xE  }
0xd3: {  	v29 =	vor.u32 $0x12, v17;
	v24 =	vld.idx.msk [tilespmem:v28+s13+$0x0], $0xffff  }
0xd4: {  	v21 =	vadd.f32 v22, v21;
	v22 =	vmul.f32 v25, v23  }
0xd5: {  	v20 =	vbroadcast v20, $0xF;
	v23 =	vor.u32 $0x13, v17;
	v25 =	vld.idx.msk [tilespmem:v26+s13+$0x0], $0xffff  }
0xd6: {  	v21 =	vadd.f32 v22, v21;
	v22 =	vbroadcast v19, $0x0  }
0xd7: {  	v20 =	vmul.f32 v27, v20;
	v26 =	vor.u32 $0x14, v17  }
0xd8: {  	v27 =	vld.idx.msk [tilespmem:v29+s13+$0x0], $0xffff;
	v22 =	vmul.f32 v24, v22;
	v24 =	vbroadcast v19, $0x1  }
0xd9: {  	v28 =	vor.u32 $0x15, v17;
	v21 =	vadd.f32 v20, v21  }
0xda: {  	s22 =	simm.s32 $0x1;
	v30 =	vmul.f32 v25, v24;
	v24 =	vld.idx.msk [tilespmem:v23+s13+$0x0], $0xffff;
	v25 =	vor.u32 $0x16, v17  }
0xdb: {  	v31 =	vbroadcast v19, $0x2;
	v20 =	vadd.s32 s22, v18;
	v29 =	vadd.f32 v22, v21  }
0xdc: {  	v32 =	vshll.u32 v20, $0x1;
	v21 =	vor.u32 $0x17, v17;
	v22 =	vld.idx.msk [tilespmem:v26+s13+$0x0], $0xffff  }
0xdd: {  	v29 =	vadd.f32 v30, v29;
	v30 =	vmul.f32 v27, v31;
	v31 =	vbroadcast v19, $0x3  }
0xde: {  	p0 =	por p1, p1;
	s22 =	simm.s32 $0x2;
	v23 =	vld.idx.msk [tilespmem:v28+s13+$0x0], $0xffff;
	v28 =	vand.u32 $0x7FFFFF80, v32;
	v26 =	vor.u32 $0x18, v17;
	v27 =	vand.u32 $0x3F, v20  }
.LBB2_4:
0xdf: {  	p1 =	sne.s32 s22, $0x19;
	v29 =	vadd.f32 v30, v29;
	v24 =	vmul.f32 v24, v31;
	v30 =	vbroadcast v19, $0x4;
	v25 =	vld.idx.msk [tilespmem:v25+s13+$0x0], $0xffff  }
0xe0: {  	v27 =	vor.u32 v27, v28;
	v28 =	vor.u32 $0x19, v17  }
0xe1: {  	v24 =	vadd.f32 v24, v29;
	v22 =	vmul.f32 v22, v30;
	v29 =	vbroadcast v19, $0x5;
	v21 =	vld.idx.msk [tilespmem:v21+s13+$0x0], $0xffff  }
0xe2: {  	v30 =	vor.u32 $0x1A, v17  }
0xe3: {  	v22 =	vadd.f32 v22, v24;
	v23 =	vmul.f32 v23, v29;
	v24 =	vbroadcast v19, $0x6;
	v26 =	vld.idx.msk [tilespmem:v26+s13+$0x0], $0xffff  }
0xe4: {  	v29 =	vor.u32 $0x1B, v17  }
0xe5: {  	v22 =	vadd.f32 v23, v22;
	v23 =	vmul.f32 v25, v24;
	v24 =	vbroadcast v19, $0x7;
	v25 =	vld.idx.msk [tilespmem:v28+s13+$0x0], $0xffff  }
0xe6: {  	v28 =	vor.u32 $0x1C, v17;
	v27 =	vld.idx.msk [tilespmem:v27+s2+$0x0], $0xffff  }
0xe7: {  	v22 =	vadd.f32 v23, v22;
	v21 =	vmul.f32 v21, v24;
	v23 =	vbroadcast v19, $0x8;
	v24 =	vld.idx.msk [tilespmem:v30+s13+$0x0], $0xffff  }
0xe8: {  	v30 =	vor.u32 $0x1D, v17  }
0xe9: {  	v21 =	vadd.f32 v21, v22;
	v22 =	vmul.f32 v26, v23;
	v23 =	vbroadcast v19, $0x9;
	v26 =	vld.idx.msk [tilespmem:v29+s13+$0x0], $0xffff  }
0xea: {  	v20 =	vshll.u32 v20, $0x7;
	v29 =	vor.u32 $0x1E, v17  }
0xeb: {  	v21 =	vadd.f32 v22, v21;
	v22 =	vmul.f32 v25, v23;
	v23 =	vbroadcast v19, $0xA;
	v25 =	vld.idx.msk [tilespmem:v28+s13+$0x0], $0xffff  }
0xec: {  	v31 =	vor.u32 $0x1F, v17;
	v27 =	vshll.u32 v27, $0x5;
	v28 =	vbroadcast v19, $0xB  }
0xed: {  	v17 =	vand.u32 $0x60, v27;
	v21 =	vadd.f32 v22, v21;
	v22 =	vmul.f32 v24, v23;
	v23 =	vld.idx.msk [tilespmem:v30+s13+$0x0], $0xffff  }
0xee: {  	v17 =	vor.u32 v20, v17  }
0xef: {  	v20 =	vadd.f32 v22, v21;
	v21 =	vmul.f32 v26, v28;
	v22 =	vbroadcast v19, $0xC;
	v24 =	vld.idx.msk [tilespmem:v29+s13+$0x0], $0xffff  }
0xf0: {  	v26 =	vor.u32 $0x1, v17  }
0xf1: {  	s21 =	sadd.s32 $0x20, s21;
	v20 =	vadd.f32 v21, v20;
	v21 =	vmul.f32 v25, v22;
	v22 =	vbroadcast v19, $0xD;
	v25 =	vld.idx.msk [tilespmem:v31+s13+$0x0], $0xffff  }
0xf2: {  	v28 =	vor.u32 $0x2, v17;
	v27 =	vld [tilespmem:s21+$0xFFFFFFF0]  }
0xf3: {  	v29 =	vld.idx.msk [tilespmem:v17+s13+$0x0], $0xffff;
	v20 =	vadd.f32 v21, v20;
	v21 =	vmul.f32 v23, v22;
	v22 =	vbroadcast v19, $0xE  }
0xf4: {  	v23 =	vor.u32 $0x3, v17  }
0xf5: {  	v19 =	vbroadcast v19, $0xF;
	v26 =	vld.idx.msk [tilespmem:v26+s13+$0x0], $0xffff;
	v20 =	vadd.f32 v21, v20;
	v21 =	vmul.f32 v24, v22  }
0xf6: {  	v22 =	vor.u32 $0x4, v17  }
0xf7: {  	v19 =	vmul.f32 v25, v19;
	v24 =	vbroadcast v27, $0x0;
	v28 =	vld.idx.msk [tilespmem:v28+s13+$0x0], $0xffff;
	v20 =	vadd.f32 v21, v20  }
0xf8: {  	v21 =	vor.u32 $0x5, v17  }
0xf9: {  	v25 =	vbroadcast v27, $0x1;
	v24 =	vmul.f32 v29, v24;
	v23 =	vld.idx.msk [tilespmem:v23+s13+$0x0], $0xffff;
	v19 =	vadd.f32 v19, v20  }
0xfa: {  	v20 =	vor.u32 $0x6, v17  }
0xfb: {  	v19 =	vadd.f32 v24, v19;
	v24 =	vmul.f32 v26, v25;
	v25 =	vbroadcast v27, $0x2;
	v22 =	vld.idx.msk [tilespmem:v22+s13+$0x0], $0xffff  }
0xfc: {  	v26 =	vor.u32 $0x7, v17  }
0xfd: {  	v19 =	vadd.f32 v24, v19;
	v24 =	vmul.f32 v28, v25;
	v25 =	vbroadcast v27, $0x3;
	v21 =	vld.idx.msk [tilespmem:v21+s13+$0x0], $0xffff  }
0xfe: {  	v28 =	vor.u32 $0x8, v17  }
0xff: {  	v19 =	vadd.f32 v24, v19;
	v23 =	vmul.f32 v23, v25;
	v24 =	vbroadcast v27, $0x4;
	v20 =	vld.idx.msk [tilespmem:v20+s13+$0x0], $0xffff  }
0x100: {  	v25 =	vor.u32 $0x9, v17  }
0x101: {  	v19 =	vadd.f32 v23, v19;
	v22 =	vmul.f32 v22, v24;
	v23 =	vbroadcast v27, $0x5;
	v24 =	vld.idx.msk [tilespmem:v26+s13+$0x0], $0xffff  }
0x102: {  	v26 =	vor.u32 $0xA, v17  }
0x103: {  	v19 =	vadd.f32 v22, v19;
	v21 =	vmul.f32 v21, v23;
	v22 =	vbroadcast v27, $0x6;
	v23 =	vld.idx.msk [tilespmem:v28+s13+$0x0], $0xffff  }
0x104: {  	v28 =	vor.u32 $0xB, v17  }
0x105: {  	v19 =	vadd.f32 v21, v19;
	v20 =	vmul.f32 v20, v22;
	v21 =	vbroadcast v27, $0x7;
	v22 =	vld.idx.msk [tilespmem:v25+s13+$0x0], $0xffff  }
0x106: {  	v25 =	vor.u32 $0xC, v17  }
0x107: {  	v19 =	vadd.f32 v20, v19;
	v20 =	vmul.f32 v24, v21;
	v21 =	vbroadcast v27, $0x8;
	v24 =	vld.idx.msk [tilespmem:v26+s13+$0x0], $0xffff  }
0x108: {  	v26 =	vor.u32 $0xD, v17  }
0x109: {  	v19 =	vadd.f32 v20, v19;
	v20 =	vmul.f32 v23, v21;
	v21 =	vbroadcast v27, $0x9;
	v23 =	vld.idx.msk [tilespmem:v28+s13+$0x0], $0xffff  }
0x10a: {  	v28 =	vor.u32 $0xE, v17  }
0x10b: {  	v19 =	vadd.f32 v20, v19;
	v20 =	vmul.f32 v22, v21;
	v21 =	vbroadcast v27, $0xA;
	v22 =	vld.idx.msk [tilespmem:v25+s13+$0x0], $0xffff  }
0x10c: {  	v25 =	vor.u32 $0xF, v17  }
0x10d: {  	v19 =	vadd.f32 v20, v19;
	v20 =	vmul.f32 v24, v21;
	v21 =	vbroadcast v27, $0xB;
	v24 =	vld.idx.msk [tilespmem:v26+s13+$0x0], $0xffff  }
0x10e: {  	v26 =	vor.u32 $0x10, v17  }
0x10f: {  	v19 =	vadd.f32 v20, v19;
	v20 =	vmul.f32 v23, v21;
	v21 =	vbroadcast v27, $0xC;
	v23 =	vld.idx.msk [tilespmem:v28+s13+$0x0], $0xffff  }
0x110: {  	v28 =	vor.u32 $0x11, v17  }
0x111: {  	v20 =	vadd.f32 v20, v19;
	v21 =	vmul.f32 v22, v21;
	v22 =	vbroadcast v27, $0xD;
	v25 =	vld.idx.msk [tilespmem:v25+s13+$0x0], $0xffff  }
0x112: {  	v29 =	vor.u32 $0x12, v17;
	v19 =	vld [tilespmem:s21+$0x0]  }
0x113: {  	v20 =	vadd.f32 v21, v20;
	v21 =	vmul.f32 v24, v22;
	v22 =	vbroadcast v27, $0xE;
	v24 =	vld.idx.msk [tilespmem:v26+s13+$0x0], $0xffff  }
0x114: {  	v26 =	vor.u32 $0x13, v17  }
0x115: {  	v20 =	vadd.f32 v21, v20;
	v21 =	vmul.f32 v23, v22;
	v22 =	vbroadcast v27, $0xF;
	v23 =	vld.idx.msk [tilespmem:v28+s13+$0x0], $0xffff  }
0x116: {  	v27 =	vor.u32 $0x14, v17  }
0x117: {  	v20 =	vadd.f32 v21, v20;
	v21 =	vmul.f32 v25, v22;
	v22 =	vbroadcast v19, $0x0;
	v28 =	vld.idx.msk [tilespmem:v29+s13+$0x0], $0xffff  }
0x118: {  	v32 =	vor.u32 $0x15, v17  }
0x119: {  	v29 =	vbroadcast v19, $0x1;
	v21 =	vadd.f32 v21, v20;
	v22 =	vmul.f32 v24, v22;
	v24 =	vld.idx.msk [tilespmem:v26+s13+$0x0], $0xffff  }
.Ltmp0:
0x11a: {  	v25 =	vor.u32 $0x16, v17;
	v20 =	vadd.s32 s22, v18;
	(pc) =	sbr.rel @p1 .LBB2_4-.Ltmp0, $4  }
0x11b: {  	v30 =	vbroadcast v19, $0x2;
	v23 =	vmul.f32 v23, v29;
	v26 =	vadd.f32 v22, v21;
	v22 =	vld.idx.msk [tilespmem:v27+s13+$0x0], $0xffff  }
0x11c: {  	v33 =	vshll.u32 v20, $0x1;
	v21 =	vor.u32 $0x17, v17  }
0x11d: {  	v31 =	vbroadcast v19, $0x3;
	v30 =	vmul.f32 v28, v30;
	v29 =	vadd.f32 v23, v26;
	v23 =	vld.idx.msk [tilespmem:v32+s13+$0x0], $0xffff  }
0x11e: {  	s22 =	sadd.s32 $0x1, s22;
	v27 =	vand.u32 $0x3F, v20;
	v28 =	vand.u32 $0x7FFFFF80, v33;
	v26 =	vor.u32 $0x18, v17  }
0x11f: {  	_ =	sdelay $0x2  }
0x120: {  	v18 =	vadd.f32 v30, v29;
	v24 =	vmul.f32 v24, v31;
	v60 =	vbroadcast v19, $0x4  }
0x121: {  	v25 =	vld.idx.msk [tilespmem:v25+s13+$0x0], $0xffff;
	v61 =	vor.u32 $0x19, v17  }
0x122: {  	v62 =	vbroadcast v19, $0x5;
	v18 =	vadd.f32 v24, v18;
	v22 =	vmul.f32 v22, v60  }
0x123: {  	v27 =	vor.u32 v27, v28;
	v21 =	vld.idx.msk [tilespmem:v21+s13+$0x0], $0xffff;
	v63 =	vor.u32 $0x1A, v17  }
0x124: {  	v33 =	vbroadcast v19, $0x6;
	v32 =	vmul.f32 v23, v62;
	v18 =	vadd.f32 v22, v18  }
0x125: {  	v34 =	vld.idx.msk [tilespmem:v26+s13+$0x0], $0xffff;
	v35 =	vor.u32 $0x1B, v17  }
0x126: {  	v37 =	vbroadcast v19, $0x7;
	v36 =	vmul.f32 v25, v33;
	v18 =	vadd.f32 v32, v18  }
0x127: {  	v39 =	vor.u32 $0x1C, v17;
	v38 =	vld.idx.msk [tilespmem:v61+s13+$0x0], $0xffff  }
0x128: {  	v40 =	vbroadcast v19, $0x8;
	v27 =	vld.idx.msk [tilespmem:v27+s2+$0x0], $0xffff;
	v21 =	vmul.f32 v21, v37;
	v18 =	vadd.f32 v36, v18  }
0x129: {  	v42 =	vor.u32 $0x1D, v17;
	v41 =	vld.idx.msk [tilespmem:v63+s13+$0x0], $0xffff  }
0x12a: {  	v44 =	vbroadcast v19, $0x9;
	v43 =	vmul.f32 v34, v40;
	v18 =	vadd.f32 v21, v18  }
0x12b: {  	v46 =	vor.u32 $0x1E, v17;
	v45 =	vld.idx.msk [tilespmem:v35+s13+$0x0], $0xffff  }
0x12c: {  	v48 =	vbroadcast v19, $0xA;
	v47 =	vmul.f32 v38, v44;
	v18 =	vadd.f32 v43, v18  }
0x12d: {  	v50 =	vbroadcast v19, $0xB;
	v51 =	vor.u32 $0x1F, v17;
	v49 =	vld.idx.msk [tilespmem:v39+s13+$0x0], $0xffff  }
0x12e: {  	v27 =	vshll.u32 v27, $0x5;
	v52 =	vmul.f32 v41, v48;
	v18 =	vadd.f32 v47, v18  }
0x12f: {  	v20 =	vshll.u32 v20, $0x7;
	v55 =	vbroadcast v19, $0xC;
	v53 =	vld.idx.msk [tilespmem:v42+s13+$0x0], $0xffff;
	v17 =	vand.u32 $0x60, v27  }
0x130: {  	v54 =	vmul.f32 v45, v50;
	v17 =	vor.u32 v20, v17;
	v18 =	vadd.f32 v52, v18  }
0x131: {  	v59 =	vbroadcast v19, $0xD;
	s21 =	sadd.s32 $0x20, s21;
	v56 =	vld.idx.msk [tilespmem:v46+s13+$0x0], $0xffff  }
0x132: {  	v26 =	vld [tilespmem:s21+$0xFFFFFFF0];
	v58 =	vmul.f32 v49, v55;
	v57 =	vor.u32 $0x1, v17;
	v18 =	vadd.f32 v54, v18  }
0x133: {  	v60 =	vld.idx.msk [tilespmem:v51+s13+$0x0], $0xffff;
	v63 =	vbroadcast v19, $0xE  }
0x134: {  	v62 =	vmul.f32 v53, v59;
	v61 =	vor.u32 $0x2, v17;
	v18 =	vadd.f32 v58, v18  }
0x135: {  	v35 =	vbroadcast v19, $0xF;
	v32 =	vld.idx.msk [tilespmem:v17+s13+$0x0], $0xffff  }
0x136: {  	v34 =	vmul.f32 v56, v63;
	v33 =	vor.u32 $0x3, v17;
	v18 =	vadd.f32 v62, v18  }
0x137: {  	v38 =	vbroadcast v26, $0x0;
	v36 =	vld.idx.msk [tilespmem:v57+s13+$0x0], $0xffff  }
0x138: {  	v19 =	vmul.f32 v60, v35;
	v37 =	vor.u32 $0x4, v17;
	v18 =	vadd.f32 v34, v18  }
0x139: {  	v41 =	vbroadcast v26, $0x1;
	v39 =	vld.idx.msk [tilespmem:v61+s13+$0x0], $0xffff  }
0x13a: {  	v40 =	vor.u32 $0x5, v17;
	v22 =	vmul.f32 v32, v38;
	v18 =	vadd.f32 v19, v18  }
0x13b: {  	v44 =	vbroadcast v26, $0x2;
	v42 =	vld.idx.msk [tilespmem:v33+s13+$0x0], $0xffff  }
0x13c: {  	v43 =	vor.u32 $0x6, v17;
	v21 =	vmul.f32 v36, v41;
	v18 =	vadd.f32 v22, v18  }
0x13d: {  	v46 =	vbroadcast v26, $0x3;
	v23 =	vld.idx.msk [tilespmem:v37+s13+$0x0], $0xffff  }
0x13e: {  	v45 =	vor.u32 $0x7, v17;
	v20 =	vmul.f32 v39, v44;
	v18 =	vadd.f32 v21, v18  }
0x13f: {  	v49 =	vbroadcast v26, $0x4;
	v47 =	vld.idx.msk [tilespmem:v40+s13+$0x0], $0xffff  }
0x140: {  	v48 =	vor.u32 $0x8, v17;
	v19 =	vmul.f32 v42, v46;
	v18 =	vadd.f32 v20, v18  }
0x141: {  	v53 =	vbroadcast v26, $0x5;
	v50 =	vld.idx.msk [tilespmem:v43+s13+$0x0], $0xffff  }
0x142: {  	v51 =	vor.u32 $0x9, v17;
	v52 =	vmul.f32 v23, v49;
	v18 =	vadd.f32 v19, v18  }
0x143: {  	v55 =	vor.u32 $0xA, v17;
	v54 =	vld.idx.msk [tilespmem:v45+s13+$0x0], $0xffff  }
0x144: {  	v57 =	vbroadcast v26, $0x6;
	v56 =	vmul.f32 v47, v53;
	v18 =	vadd.f32 v52, v18  }
0x145: {  	v59 =	vor.u32 $0xB, v17;
	v58 =	vld.idx.msk [tilespmem:v48+s13+$0x0], $0xffff  }
0x146: {  	v61 =	vbroadcast v26, $0x7;
	v60 =	vmul.f32 v50, v57;
	v18 =	vadd.f32 v56, v18  }
0x147: {  	v30 =	vbroadcast v26, $0x8;
	v62 =	vld.idx.msk [tilespmem:v51+s13+$0x0], $0xffff  }
0x148: {  	v63 =	vor.u32 $0xC, v17;
	v29 =	vmul.f32 v54, v61;
	v18 =	vadd.f32 v60, v18  }
0x149: {  	v31 =	vld.idx.msk [tilespmem:v55+s13+$0x0], $0xffff;
	v32 =	vor.u32 $0xD, v17  }
0x14a: {  	v34 =	vbroadcast v26, $0x9;
	v33 =	vmul.f32 v58, v30;
	v18 =	vadd.f32 v29, v18  }
0x14b: {  	v35 =	vld.idx.msk [tilespmem:v59+s13+$0x0], $0xffff;
	v38 =	vbroadcast v26, $0xA  }
0x14c: {  	v36 =	vor.u32 $0xE, v17;
	v37 =	vmul.f32 v62, v34;
	v18 =	vadd.f32 v33, v18  }
0x14d: {  	v40 =	vor.u32 $0xF, v17;
	v39 =	vld.idx.msk [tilespmem:v63+s13+$0x0], $0xffff  }
0x14e: {  	v41 =	vmul.f32 v31, v38;
	v42 =	vbroadcast v26, $0xB;
	v18 =	vadd.f32 v37, v18  }
0x14f: {  	v44 =	vor.u32 $0x10, v17;
	v43 =	vld.idx.msk [tilespmem:v32+s13+$0x0], $0xffff  }
0x150: {  	v46 =	vbroadcast v26, $0xC;
	v45 =	vmul.f32 v35, v42;
	v18 =	vadd.f32 v41, v18  }
0x151: {  	v48 =	vor.u32 $0x11, v17;
	v47 =	vld.idx.msk [tilespmem:v36+s13+$0x0], $0xffff  }
0x152: {  	v27 =	vld [tilespmem:s21+$0x0];
	v50 =	vbroadcast v26, $0xD;
	v49 =	vmul.f32 v39, v46;
	v18 =	vadd.f32 v45, v18  }
0x153: {  	v51 =	vld.idx.msk [tilespmem:v40+s13+$0x0], $0xffff;
	v54 =	vbroadcast v26, $0xE  }
0x154: {  	v53 =	vmul.f32 v43, v50;
	v52 =	vor.u32 $0x12, v17;
	v18 =	vadd.f32 v49, v18  }
0x155: {  	v58 =	vbroadcast v26, $0xF;
	v55 =	vld.idx.msk [tilespmem:v44+s13+$0x0], $0xffff  }
0x156: {  	v57 =	vmul.f32 v47, v54;
	v56 =	vor.u32 $0x13, v17;
	v18 =	vadd.f32 v53, v18  }
0x157: {  	v59 =	vld.idx.msk [tilespmem:v48+s13+$0x0], $0xffff;
	v62 =	vbroadcast v27, $0x0  }
0x158: {  	v61 =	vmul.f32 v51, v58;
	v60 =	vor.u32 $0x14, v17;
	v18 =	vadd.f32 v57, v18  }
0x159: {  	v28 =	vor.u32 $0x15, v17;
	v63 =	vld.idx.msk [tilespmem:v52+s13+$0x0], $0xffff  }
0x15a: {  	v30 =	vbroadcast v27, $0x1;
	v29 =	vmul.f32 v55, v62;
	v18 =	vadd.f32 v61, v18  }
0x15b: {  	v32 =	vor.u32 $0x16, v17;
	v31 =	vld.idx.msk [tilespmem:v56+s13+$0x0], $0xffff  }
0x15c: {  	v34 =	vbroadcast v27, $0x2;
	v33 =	vmul.f32 v59, v30;
	v18 =	vadd.f32 v29, v18  }
0x15d: {  	v38 =	vbroadcast v27, $0x3;
	v35 =	vld.idx.msk [tilespmem:v60+s13+$0x0], $0xffff  }
0x15e: {  	v36 =	vor.u32 $0x17, v17;
	v37 =	vmul.f32 v63, v34;
	v18 =	vadd.f32 v33, v18  }
0x15f: {  	v40 =	vor.u32 $0x18, v17;
	v39 =	vld.idx.msk [tilespmem:v28+s13+$0x0], $0xffff  }
0x160: {  	v42 =	vbroadcast v27, $0x4;
	v41 =	vmul.f32 v31, v38;
	v18 =	vadd.f32 v37, v18  }
0x161: {  	v44 =	vor.u32 $0x19, v17;
	v43 =	vld.idx.msk [tilespmem:v32+s13+$0x0], $0xffff  }
0x162: {  	v46 =	vbroadcast v27, $0x5;
	v45 =	vmul.f32 v35, v42;
	v18 =	vadd.f32 v41, v18  }
0x163: {  	v48 =	vor.u32 $0x1A, v17;
	v47 =	vld.idx.msk [tilespmem:v36+s13+$0x0], $0xffff  }
0x164: {  	v50 =	vbroadcast v27, $0x6;
	v49 =	vmul.f32 v39, v46;
	v18 =	vadd.f32 v45, v18  }
0x165: {  	v51 =	vld.idx.msk [tilespmem:v40+s13+$0x0], $0xffff;
	v54 =	vor.u32 $0x1B, v17  }
0x166: {  	v52 =	vmul.f32 v43, v50;
	v53 =	vbroadcast v27, $0x7;
	v18 =	vadd.f32 v49, v18  }
0x167: {  	v24 =	vld.idx.msk [tilespmem:v44+s13+$0x0], $0xffff;
	v56 =	vbroadcast v27, $0x8  }
0x168: {  	v25 =	vld.idx.msk [tilespmem:v48+s13+$0x0], $0xffff;
	v55 =	vmul.f32 v47, v53;
	v57 =	vor.u32 $0x1C, v17;
	v18 =	vadd.f32 v52, v18  }
0x169: {  	v59 =	vbroadcast v27, $0x9  }
0x16a: {  	v58 =	vmul.f32 v51, v56;
	v60 =	vor.u32 $0x1D, v17;
	v18 =	vadd.f32 v55, v18  }
0x16b: {  	v23 =	vld.idx.msk [tilespmem:v54+s13+$0x0], $0xffff;
	v62 =	vbroadcast v27, $0xA  }
0x16c: {  	v63 =	vor.u32 $0x1E, v17;
	v61 =	vmul.f32 v24, v59;
	v18 =	vadd.f32 v58, v18  }
0x16d: {  	v28 =	vmul.f32 v25, v62;
	v22 =	vld.idx.msk [tilespmem:v57+s13+$0x0], $0xffff  }
0x16e: {  	v17 =	vor.u32 $0x1F, v17;
	v29 =	vbroadcast v27, $0xB;
	v18 =	vadd.f32 v61, v18  }
0x16f: {  	v16 =	vmul.u32 $0xD, v16;
	v21 =	vld.idx.msk [tilespmem:v60+s13+$0x0], $0xffff  }
0x170: {  	v31 =	vbroadcast v27, $0xC;
	v30 =	vmul.f32 v23, v29;
	v18 =	vadd.f32 v28, v18  }
0x171: {  	v34 =	vbroadcast v27, $0xD;
	v32 =	vld.idx.msk [tilespmem:v63+s13+$0x0], $0xffff  }
0x172: {  	v35 =	vadd.s32 $0x1, v16;
	v33 =	vmul.f32 v22, v31;
	v18 =	vadd.f32 v30, v18  }
0x173: {  	v38 =	vadd.s32 $0x2, v16;
	v17 =	vld.idx.msk [tilespmem:v17+s13+$0x0], $0xffff  }
0x174: {  	v36 =	vmul.f32 v21, v34;
	v37 =	vbroadcast v27, $0xE;
	v18 =	vadd.f32 v33, v18  }
0x175: {  	v40 =	vbroadcast v27, $0xF;
	v39 =	vld.idx.msk [tilespmem:v16+s16+$0x0], $0xffff  }
0x176: {  	v20 =	vmul.f32 v32, v37;
	v41 =	vadd.s32 $0x3, v16;
	v18 =	vadd.f32 v36, v18  }
0x177: {  	v22 =	vld.idx.msk [tilespmem:v35+s16+$0x0], $0xffff  }
0x178: {  	v42 =	vadd.s32 $0x4, v16;
	v17 =	vmul.f32 v17, v40;
	v18 =	vadd.f32 v20, v18  }
0x179: {  	v21 =	vld.idx.msk [tilespmem:v38+s16+$0x0], $0xffff  }
0x17a: {  	v44 =	vadd.s32 $0x5, v16;
	v43 =	vmul.f32 v39, v2;
	v17 =	vadd.f32 v17, v18  }
0x17b: {  	v45 =	vld.idx.msk [tilespmem:v41+s16+$0x0], $0xffff  }
0x17c: {  	v47 =	vadd.s32 $0x6, v16;
	v46 =	vmul.f32 v22, v3;
	v17 =	vadd.f32 v43, v17  }
0x17d: {  	v20 =	vld.idx.msk [tilespmem:v42+s16+$0x0], $0xffff  }
0x17e: {  	v48 =	vmul.f32 v21, v4;
	v49 =	vadd.s32 $0x7, v16;
	v17 =	vadd.f32 v46, v17  }
0x17f: {  	v19 =	vld.idx.msk [tilespmem:v44+s16+$0x0], $0xffff  }
0x180: {  	v51 =	vadd.s32 $0x8, v16;
	v50 =	vmul.f32 v45, v5;
	v17 =	vadd.f32 v48, v17  }
0x181: {  	v22 =	vld.idx.msk [tilespmem:v47+s16+$0x0], $0xffff  }
0x182: {  	v53 =	vadd.s32 $0x9, v16;
	v52 =	vmul.f32 v20, v6;
	v17 =	vadd.f32 v50, v17  }
0x183: {  	v21 =	vld.idx.msk [tilespmem:v49+s16+$0x0], $0xffff  }
0x184: {  	v54 =	vmul.f32 v19, v7;
	v55 =	vadd.s32 $0xA, v16;
	v17 =	vadd.f32 v52, v17  }
0x185: {  	v23 =	vld.idx.msk [tilespmem:v51+s16+$0x0], $0xffff  }
0x186: {  	v57 =	vadd.s32 $0xB, v16;
	v56 =	vmul.f32 v22, v8;
	v17 =	vadd.f32 v54, v17  }
0x187: {  	v20 =	vld.idx.msk [tilespmem:v53+s16+$0x0], $0xffff  }
0x188: {  	v16 =	vadd.s32 $0xC, v16;
	v58 =	vmul.f32 v21, v9;
	v17 =	vadd.f32 v56, v17  }
0x189: {  	v19 =	vld.idx.msk [tilespmem:v55+s16+$0x0], $0xffff  }
0x18a: {  	v59 =	vmul.f32 v23, v10;
	v17 =	vadd.f32 v58, v17  }
0x18b: {  	v60 =	vld.idx.msk [tilespmem:v57+s16+$0x0], $0xffff  }
0x18c: {  	v61 =	vmul.f32 v20, v11;
	v17 =	vadd.f32 v59, v17  }
0x18d: {  	v16 =	vld.idx.msk [tilespmem:v16+s16+$0x0], $0xffff  }
0x18e: {  	v62 =	vmul.f32 v19, v12;
	v17 =	vadd.f32 v61, v17;
	_ =	sdelay $0x1  }
0x18f: {  	v63 =	vmul.f32 v60, v13;
	v17 =	vadd.f32 v62, v17;
	_ =	sdelay $0x1  }
0x190: {  	v16 =	vmul.f32 v16, v14;
	v17 =	vadd.f32 v63, v17;
	_ =	sdelay $0x1  }
0x191: {  	v16 =	vadd.f32 v16, v17;
	_ =	sdelay $0x1  }
0x192: {  	v16 =	vsub.f32 $0.0e+00, v16;
	_ =	sdelay $0x1  }
0x193: {  	v16 =	vmul.f32 $1.442695020e+00, v16;
	_ =	sdelay $0x1  }
0x194: {  	(erf) = vpow2.f32 v16;
	_ =	sdelay $0x8  }
0x195: {  	v16 =	vpop (erf)  }
0x196: {  	v16 =	vadd.f32 $1.000000000e+00, v16;
	_ =	sdelay $0x1  }
0x197: {  	(erf) = vrcp.f32 v16;
	_ =	sdelay $0x5  }
.Ltmp1:
0x198: {  	_ = 	snop;
	(pc) =	sbr.rel @p0 .LBB2_3-.Ltmp1, $3  }
0x199: {  	_ =	sdelay $0x1  }
0x19a: {  	v16 =	vpop (erf)  }
0x19b: {  	p1 =	por $0x0, $0x0;
	[tilespmem:v15+s20+$0x0 ss:$0x1] =	vst.idx.msk $0xffff, v16;
	s20 =	simm.s32 $0x10  }
0x19c: {  	s18 =	sadd.s32 $0x1, s18  }
0x19d: {  	p0 =	sne.s32 s18, $0x10  }
.Ltmp2:
0x19e: {  	_ = 	snop;
	(pc) =	sbr.rel @p0 .LBB2_2-.Ltmp2, $1  }
0x19f: {  	_ =	sdelay $0x3  }
0x1a0: {  	s18 =	rddreg [dreg:$0x4];
	s19 =	simm.s32 $0x1B580  }
0x1a1: {  	[hbm4b:s18+s2] =	stream.linear.scatter [tilespmem:s19], [sflag:$0x2], $0x200, $0x38;
	[tilespmem:$0x1B780] =	vst v63  }
0x1a2: {  	_ =	swait.ge [sflag:s10], $0x200  }
0x1a3: {  	s21 =	rddreg [dreg:$0x6]  }
0x1a4: {  	s22 =	rddreg [dreg:$0x5];
	s19 =	sadd.s32 $0x1, s21  }
0x1a5: {  	p0 =	sne.s32 s19, s22  }
.Ltmp3:
0x1a6: {  	_ = 	snop;
	(pc) =	sbr.rel @p0 .LBB2_1-.Ltmp3, $3  }
0x1a7: {  	_ =	sdelay $0x1  }
0x1a8: {  	[sflag:s10] =	ssyncset.done $0x0  }
0x1a9: {  	[sflag:s10] =	ssyncadd.s32 $0xFFFFFE00  }
0x1aa: {  	_ =	sfence.sel $0x180000  }
0x1ab: {  	[bflag:$0x0] =	sbarrier.arrive $0xFFFF  }
0x1ac: {  	_ =	strace $0x90000047  }
0x1ad: {  	s0 =	stileid.u32;
	[bflag:$0x2] =	sbarrier.arrive $0xFFFF  }
0x1ae: {  	p0 =	sne.s32 s0, $0x0;
	s0 =	rddreg [dreg:$0x2]  }
0x1af: {  	s0 =	sadd.s32 @!p0 $0x100000, s0  }
0x1b0: {  	[sflag:s0] =	ssyncadd.tile.s32 @!p0 $0x1;
	_ =	shalt  }
.Lfunc_end2:
_tile_overlayer_lowered:
.L_overlay_start_2:
0x1b1: {  	(tag) =	ssettag $0x2  }
0x1b2: {  	s0 =	rddreg [dreg:$0x0];
	s2 =	stileid.u32  }
0x1b3: {  	s1 =	rddreg [dreg:$0x1];
	p0 =	sne.s32 s2, $0x0  }
0x1b4: {  	s3 =	rddreg [dreg:$0x2];
	[bflag:$0x3] =	sbarrier.arrive $0xFFFF;
	s2 =	simm.s32 @!p0 $0x1C02  }
0x1b5: {  	[timem:s3], [sflag:s2] =	dma.local @!p0 [hbm:s0], s1  }
0x1b6: {  	s0 =	simm.s32 @!p0 $0x2  }
0x1b7: {  	_ =	swait.ge @!p0 [sflag:s0], s1  }
0x1b8: {  	s1 =	ssub.s32 @!p0 $0x0, s1;
	[sflag:s0] =	ssyncset.done @!p0 $0x0  }
0x1b9: {  	[sflag:s0] =	ssyncadd.s32 @!p0 s1  }
0x1ba: {  	[bflag:$0x3] =	sbarrier.arrive $0xFFFF  }
0x1bb: {  	_ =	shalt  }

</sc_bundles>
